<compile_context>
chip_gen: v7x
topology: tpu7x:2x2x1
jax: 0.10.2.dev20260603
libtpu: 0.0.44.dev20260713+nightly
codegen_flags: <defaults>
</compile_context>

<pallas_src>
import functools

import jax
import jax.numpy as jnp
from jax import lax
from jax.experimental import pallas as pl
from jax.experimental.pallas import tpu as pltpu
from jax.experimental.pallas import tpu_sc as plsc

D_MODEL = 1024
NUM_ROWS = 256
NUM_CORES = 2
NUM_SUBCORES = 16
NUM_WORKERS = NUM_CORES * NUM_SUBCORES
NBUF = 3


def _ln_table_body(table_ref, gamma_ref, beta_ref, out_ref):
    x = table_ref[...]
    mean = jnp.mean(x, axis=1, keepdims=True)
    cent = x - mean
    var = jnp.mean(cent * cent, axis=1, keepdims=True)
    inv = lax.rsqrt(var + 1e-5)
    out_ref[...] = cent * inv * gamma_ref[...] + beta_ref[...]


def _normalize_table(table, gamma, beta):
    return pl.pallas_call(
        _ln_table_body,
        out_shape=jax.ShapeDtypeStruct((NUM_ROWS, D_MODEL), jnp.float32),
    )(table, gamma.reshape(1, D_MODEL), beta.reshape(1, D_MODEL))


def _make_sc_gather(total_tokens):
    assert total_tokens % (8 * NUM_WORKERS) == 0
    tokens_per_worker = total_tokens // NUM_WORKERS
    chunk = 32
    n_chunks = tokens_per_worker // chunk
    n_rounds = n_chunks // NBUF
    n_tail = n_chunks - n_rounds * NBUF
    assert n_rounds >= 2
    mesh = plsc.VectorSubcoreMesh(
        core_axis_name="c",
        subcore_axis_name="s",
        num_cores=NUM_CORES,
        num_subcores=NUM_SUBCORES,
    )

    @functools.partial(
        pl.kernel,
        out_type=jax.ShapeDtypeStruct((total_tokens, D_MODEL), jnp.float32),
        mesh=mesh,
        scratch_types=[
            pltpu.VMEM((tokens_per_worker,), jnp.int32),
            pltpu.VMEM((NBUF, chunk, D_MODEL), jnp.float32),
            pltpu.SemaphoreType.DMA,
            pltpu.SemaphoreType.DMA,
            pltpu.SemaphoreType.DMA,
            pltpu.SemaphoreType.DMA,
            pltpu.SemaphoreType.DMA,
            pltpu.SemaphoreType.DMA,
        ],
    )
    def sc_gather(tab_hbm, idx_hbm, out_hbm, idx_v, bufs, g0, g1, g2, s0, s1, s2):
        gsem = (g0, g1, g2)
        ssem = (s0, s1, s2)
        wid = lax.axis_index("s") * NUM_CORES + lax.axis_index("c")
        base = wid * tokens_per_worker
        pltpu.sync_copy(idx_hbm.at[pl.ds(base, tokens_per_worker)], idx_v)

        def start_gather(ci, b):
            pltpu.async_copy(
                tab_hbm.at[idx_v.at[pl.ds(ci * chunk, chunk)]], bufs.at[b], gsem[b]
            )

        def start_scatter(ci, b):
            pltpu.async_copy(
                bufs.at[b], out_hbm.at[pl.ds(base + ci * chunk, chunk)], ssem[b]
            )

        def wait_gather(b):
            pltpu.make_async_copy(
                tab_hbm.at[pl.ds(0, chunk)], bufs.at[b], gsem[b]
            ).wait()

        def wait_scatter(b):
            pltpu.make_async_copy(
                bufs.at[b], out_hbm.at[pl.ds(base, chunk)], ssem[b]
            ).wait()

        for b in range(NBUF):
            start_gather(b, b)
        for b in range(NBUF):
            wait_gather(b)
            start_scatter(b, b)

        def round_body(g, carry):
            ci = g * NBUF
            for b in range(NBUF):
                wait_scatter(b)
                start_gather(ci + b, b)
            for b in range(NBUF):
                wait_gather(b)
                start_scatter(ci + b, b)
            return carry

        lax.fori_loop(1, n_rounds, round_body, 0)

        tail0 = n_rounds * NBUF
        for t in range(n_tail):
            wait_scatter(t)
            start_gather(tail0 + t, t)
        for t in range(n_tail):
            wait_gather(t)
            start_scatter(tail0 + t, t)
        for b in range(NBUF):
            wait_scatter(b)

    return sc_gather


def kernel(byte_ids, table, gamma, beta):
    batch, seq = byte_ids.shape
    total = batch * seq
    ids_flat = byte_ids.reshape(total).astype(jnp.int32)
    tab_n = _normalize_table(table, gamma, beta)
    out = _make_sc_gather(total)(tab_n, ids_flat)
    return out.reshape(batch, seq, D_MODEL)

# --- scband reference (transcript-rebuilt; emitter-appended) ---
"""Pipeline reference for scband-byte-embedding-82927228551642 (READ-ONLY COPY).

The authoritative reference and input builder live on the scoring server;
editing this copy changes nothing except your own understanding.
"""

import jax, jax.numpy as jnp
import numpy as np

D_MODEL = 1024
MAX_BYTE = 256
BATCH = 4
SEQ = 8192

def setup_inputs(seed: int = 0) -> dict:
    key = jax.random.key(seed)
    k1, k2, k3 = jax.random.split(key, 3)
    byte_ids = jax.random.randint(k1, (BATCH, SEQ), 0, MAX_BYTE, dtype=jnp.int64 if jax.config.jax_enable_x64 else jnp.int32)
    table = jax.random.normal(k2, (MAX_BYTE, D_MODEL), dtype=jnp.float32)
    gamma = jnp.ones((D_MODEL,), dtype=jnp.float32)
    beta = jnp.zeros((D_MODEL,), dtype=jnp.float32)
    return {"byte_ids": byte_ids, "table": table, "gamma": gamma, "beta": beta}

def reference(byte_ids, table, gamma, beta):
    # clamp byte ids into valid range
    ids = jnp.clip(byte_ids, 0, MAX_BYTE - 1)
    # embedding lookup (gather)
    emb = jnp.take(table, ids, axis=0)  # (B, S, D)
    # layer norm over last dim, eps matches torch default 1e-5
    mean = jnp.mean(emb, axis=-1, keepdims=True)
    var = jnp.mean(jnp.square(emb - mean), axis=-1, keepdims=True)
    normed = (emb - mean) / jnp.sqrt(var + 1e-5)
    out = normed * gamma + beta
    return out

if __name__ == "__main__":
    import jax
    _d = setup_inputs()
    print(jax.jit(kernel)(*tuple(_d.values())))

</pallas_src>

<mosaic_0001>
#map = affine_map<(d0, d1) -> (0, 0)>
#map1 = affine_map<(d0, d1) -> (0)>
module attributes {stable_mosaic.version = 14 : i64} {
  func.func @sc_gather(%arg0: i32, %arg1: i32, %arg2: memref<256x1024xf32, #tpu.memory_space<hbm>>, %arg3: memref<32768xi32, #tpu.memory_space<hbm>>, %arg4: memref<32768x1024xf32, #tpu.memory_space<hbm>>, %arg5: memref<1024xi32, #tpu.memory_space<vmem>>, %arg6: memref<3x32x1024xf32, #tpu.memory_space<vmem>>, %arg7: memref<!tpu.dma_semaphore, #tpu.memory_space<semaphore_mem>>, %arg8: memref<!tpu.dma_semaphore, #tpu.memory_space<semaphore_mem>>, %arg9: memref<!tpu.dma_semaphore, #tpu.memory_space<semaphore_mem>>, %arg10: memref<!tpu.dma_semaphore, #tpu.memory_space<semaphore_mem>>, %arg11: memref<!tpu.dma_semaphore, #tpu.memory_space<semaphore_mem>>, %arg12: memref<!tpu.dma_semaphore, #tpu.memory_space<semaphore_mem>>) attributes {dimension_semantics = [#tpu.dimension_semantics<core_parallel>, #tpu.dimension_semantics<subcore_parallel>], iteration_bounds = array<i64: 2, 16>, scalar_prefetch = 0 : i64, scratch_operands = 8 : i64, tpu.core_type = #tpu.core_type<sc_vector_subcore>, window_params = [{transform_indices = #map}, {transform_indices = #map1}, {transform_indices = #map}]} {
    %mul3A = arith.constant 2 : i32
    %mul3A_0 = arith.muli %arg1, %mul3A : i32
    %add3A = arith.addi %mul3A_0, %arg0 : i32
    %mul3A_1 = arith.constant 1024 : i32
    %mul3A_2 = arith.muli %add3A, %mul3A_1 : i32
    "tpu.region"() ({
      %run_scoped3A = tpu.sem_alloc : memref<!tpu.dma_semaphore, #tpu.memory_space<semaphore_mem>>
      %dma_start3A_271 = tpu.memref_slice %arg3[%mul3A_2] : memref<32768xi32, #tpu.memory_space<hbm>> -> memref<1024xi32, #tpu.memory_space<hbm>>
      %dma_start3A_272 = tpu.memref_slice %arg3[%mul3A_2] : memref<32768xi32, #tpu.memory_space<hbm>> -> memref<1024xi32, #tpu.memory_space<hbm>>
      tpu.enqueue_dma source(%dma_start3A_272 : memref<1024xi32, #tpu.memory_space<hbm>>) target(%arg5 : memref<1024xi32, #tpu.memory_space<vmem>>) target_semaphore(%run_scoped3A : memref<!tpu.dma_semaphore, #tpu.memory_space<semaphore_mem>>)
      %dma_wait3A_273 = tpu.memref_slice %arg3[%mul3A_2] : memref<32768xi32, #tpu.memory_space<hbm>> -> memref<1024xi32, #tpu.memory_space<hbm>>
      %dma_wait3A_274 = tpu.memref_slice %arg3[%mul3A_2] : memref<32768xi32, #tpu.memory_space<hbm>> -> memref<1024xi32, #tpu.memory_space<hbm>>
      tpu.wait_dma2 semaphore(%run_scoped3A : memref<!tpu.dma_semaphore, #tpu.memory_space<semaphore_mem>>) src(%dma_wait3A_274 : memref<1024xi32, #tpu.memory_space<hbm>>) dst(%arg5 : memref<1024xi32, #tpu.memory_space<vmem>>)
      tpu.yield
    }) : () -> ()
    %dma_start3A = arith.constant 0 : i32
    %dma_start3A_3 = arith.constant 0 : i32
    %dma_start3A_4 = arith.constant 0 : i32
    %dma_start3A_5 = tpu.memref_slice %arg6[%dma_start3A, %dma_start3A_3, %dma_start3A_4] : memref<3x32x1024xf32, #tpu.memory_space<vmem>> -> memref<1x32x1024xf32, #tpu.memory_space<vmem>>
    %dma_start3A_6 = tpu.memref_squeeze %dma_start3A_5 : memref<1x32x1024xf32, #tpu.memory_space<vmem>> -> memref<32x1024xf32, #tpu.memory_space<vmem>>
    %dma_start3A_7 = arith.constant 0 : i32
    %dma_start3A_8 = tpu.memref_slice %arg5[%dma_start3A_7] : memref<1024xi32, #tpu.memory_space<vmem>> -> memref<32xi32, #tpu.memory_space<vmem>>
    %dma_start3A_9 = arith.constant 0 : i32
    %dma_start3A_10 = arith.constant 0 : i32
    %dma_start3A_11 = tpu.memref_slice %arg2[%dma_start3A_9, %dma_start3A_10] : memref<256x1024xf32, #tpu.memory_space<hbm>> -> memref<256x1024xf32, #tpu.memory_space<hbm>>
    tpu.enqueue_indirect_dma source(%dma_start3A_11 : memref<256x1024xf32, #tpu.memory_space<hbm>>) target(%dma_start3A_6 : memref<32x1024xf32, #tpu.memory_space<vmem>>) offsets(%dma_start3A_8 : memref<32xi32, #tpu.memory_space<vmem>>) semaphore(%arg7 : memref<!tpu.dma_semaphore, #tpu.memory_space<semaphore_mem>>)
    %dma_start3A_12 = arith.constant 1 : i32
    %dma_start3A_13 = arith.constant 0 : i32
    %dma_start3A_14 = arith.constant 0 : i32
    %dma_start3A_15 = tpu.memref_slice %arg6[%dma_start3A_12, %dma_start3A_13, %dma_start3A_14] : memref<3x32x1024xf32, #tpu.memory_space<vmem>> -> memref<1x32x1024xf32, #tpu.memory_space<vmem>>
    %dma_start3A_16 = tpu.memref_squeeze %dma_start3A_15 : memref<1x32x1024xf32, #tpu.memory_space<vmem>> -> memref<32x1024xf32, #tpu.memory_space<vmem>>
    %dma_start3A_17 = arith.constant 32 : i32
    %dma_start3A_18 = tpu.memref_slice %arg5[%dma_start3A_17] : memref<1024xi32, #tpu.memory_space<vmem>> -> memref<32xi32, #tpu.memory_space<vmem>>
    %dma_start3A_19 = arith.constant 0 : i32
    %dma_start3A_20 = arith.constant 0 : i32
    %dma_start3A_21 = tpu.memref_slice %arg2[%dma_start3A_19, %dma_start3A_20] : memref<256x1024xf32, #tpu.memory_space<hbm>> -> memref<256x1024xf32, #tpu.memory_space<hbm>>
    tpu.enqueue_indirect_dma source(%dma_start3A_21 : memref<256x1024xf32, #tpu.memory_space<hbm>>) target(%dma_start3A_16 : memref<32x1024xf32, #tpu.memory_space<vmem>>) offsets(%dma_start3A_18 : memref<32xi32, #tpu.memory_space<vmem>>) semaphore(%arg8 : memref<!tpu.dma_semaphore, #tpu.memory_space<semaphore_mem>>)
    %dma_start3A_22 = arith.constant 2 : i32
    %dma_start3A_23 = arith.constant 0 : i32
    %dma_start3A_24 = arith.constant 0 : i32
    %dma_start3A_25 = tpu.memref_slice %arg6[%dma_start3A_22, %dma_start3A_23, %dma_start3A_24] : memref<3x32x1024xf32, #tpu.memory_space<vmem>> -> memref<1x32x1024xf32, #tpu.memory_space<vmem>>
    %dma_start3A_26 = tpu.memref_squeeze %dma_start3A_25 : memref<1x32x1024xf32, #tpu.memory_space<vmem>> -> memref<32x1024xf32, #tpu.memory_space<vmem>>
    %dma_start3A_27 = arith.constant 64 : i32
    %dma_start3A_28 = tpu.memref_slice %arg5[%dma_start3A_27] : memref<1024xi32, #tpu.memory_space<vmem>> -> memref<32xi32, #tpu.memory_space<vmem>>
    %dma_start3A_29 = arith.constant 0 : i32
    %dma_start3A_30 = arith.constant 0 : i32
    %dma_start3A_31 = tpu.memref_slice %arg2[%dma_start3A_29, %dma_start3A_30] : memref<256x1024xf32, #tpu.memory_space<hbm>> -> memref<256x1024xf32, #tpu.memory_space<hbm>>
    tpu.enqueue_indirect_dma source(%dma_start3A_31 : memref<256x1024xf32, #tpu.memory_space<hbm>>) target(%dma_start3A_26 : memref<32x1024xf32, #tpu.memory_space<vmem>>) offsets(%dma_start3A_28 : memref<32xi32, #tpu.memory_space<vmem>>) semaphore(%arg9 : memref<!tpu.dma_semaphore, #tpu.memory_space<semaphore_mem>>)
    %dma_wait3A = arith.constant 0 : i32
    %dma_wait3A_32 = arith.constant 0 : i32
    %dma_wait3A_33 = arith.constant 0 : i32
    %dma_wait3A_34 = tpu.memref_slice %arg6[%dma_wait3A, %dma_wait3A_32, %dma_wait3A_33] : memref<3x32x1024xf32, #tpu.memory_space<vmem>> -> memref<1x32x1024xf32, #tpu.memory_space<vmem>>
    %dma_wait3A_35 = tpu.memref_squeeze %dma_wait3A_34 : memref<1x32x1024xf32, #tpu.memory_space<vmem>> -> memref<32x1024xf32, #tpu.memory_space<vmem>>
    %dma_wait3A_36 = arith.constant 0 : i32
    %dma_wait3A_37 = arith.constant 0 : i32
    %dma_wait3A_38 = tpu.memref_slice %arg2[%dma_wait3A_36, %dma_wait3A_37] : memref<256x1024xf32, #tpu.memory_space<hbm>> -> memref<32x1024xf32, #tpu.memory_space<hbm>>
    %dma_wait3A_39 = arith.constant 0 : i32
    %dma_wait3A_40 = arith.constant 0 : i32
    %dma_wait3A_41 = tpu.memref_slice %arg6[%dma_wait3A, %dma_wait3A_39, %dma_wait3A_40] : memref<3x32x1024xf32, #tpu.memory_space<vmem>> -> memref<1x32x1024xf32, #tpu.memory_space<vmem>>
    %dma_wait3A_42 = tpu.memref_squeeze %dma_wait3A_41 : memref<1x32x1024xf32, #tpu.memory_space<vmem>> -> memref<32x1024xf32, #tpu.memory_space<vmem>>
    %dma_wait3A_43 = arith.constant 0 : i32
    %dma_wait3A_44 = arith.constant 0 : i32
    %dma_wait3A_45 = tpu.memref_slice %arg2[%dma_wait3A_43, %dma_wait3A_44] : memref<256x1024xf32, #tpu.memory_space<hbm>> -> memref<32x1024xf32, #tpu.memory_space<hbm>>
    tpu.wait_dma2 semaphore(%arg7 : memref<!tpu.dma_semaphore, #tpu.memory_space<semaphore_mem>>) src(%dma_wait3A_45 : memref<32x1024xf32, #tpu.memory_space<hbm>>) dst(%dma_wait3A_42 : memref<32x1024xf32, #tpu.memory_space<vmem>>)
    %add3A_46 = arith.constant 0 : i32
    %add3A_47 = arith.addi %mul3A_2, %add3A_46 : i32
    %dma_start3A_48 = arith.constant 0 : i32
    %dma_start3A_49 = arith.constant 0 : i32
    %dma_start3A_50 = arith.constant 0 : i32
    %dma_start3A_51 = tpu.memref_slice %arg6[%dma_start3A_48, %dma_start3A_49, %dma_start3A_50] : memref<3x32x1024xf32, #tpu.memory_space<vmem>> -> memref<1x32x1024xf32, #tpu.memory_space<vmem>>
    %dma_start3A_52 = tpu.memref_squeeze %dma_start3A_51 : memref<1x32x1024xf32, #tpu.memory_space<vmem>> -> memref<32x1024xf32, #tpu.memory_space<vmem>>
    %dma_start3A_53 = arith.constant 0 : i32
    %dma_start3A_54 = tpu.memref_slice %arg4[%add3A_47, %dma_start3A_53] : memref<32768x1024xf32, #tpu.memory_space<hbm>> -> memref<32x1024xf32, #tpu.memory_space<hbm>>
    %dma_start3A_55 = arith.constant 0 : i32
    %dma_start3A_56 = tpu.memref_slice %arg4[%add3A_47, %dma_start3A_55] : memref<32768x1024xf32, #tpu.memory_space<hbm>> -> memref<32x1024xf32, #tpu.memory_space<hbm>>
    %dma_start3A_57 = arith.constant 0 : i32
    %dma_start3A_58 = arith.constant 0 : i32
    %dma_start3A_59 = tpu.memref_slice %arg6[%dma_start3A_48, %dma_start3A_57, %dma_start3A_58] : memref<3x32x1024xf32, #tpu.memory_space<vmem>> -> memref<1x32x1024xf32, #tpu.memory_space<vmem>>
    %dma_start3A_60 = tpu.memref_squeeze %dma_start3A_59 : memref<1x32x1024xf32, #tpu.memory_space<vmem>> -> memref<32x1024xf32, #tpu.memory_space<vmem>>
    tpu.enqueue_dma source(%dma_start3A_60 : memref<32x1024xf32, #tpu.memory_space<vmem>>) target(%dma_start3A_56 : memref<32x1024xf32, #tpu.memory_space<hbm>>) target_semaphore(%arg10 : memref<!tpu.dma_semaphore, #tpu.memory_space<semaphore_mem>>)
    %dma_wait3A_61 = arith.constant 1 : i32
    %dma_wait3A_62 = arith.constant 0 : i32
    %dma_wait3A_63 = arith.constant 0 : i32
    %dma_wait3A_64 = tpu.memref_slice %arg6[%dma_wait3A_61, %dma_wait3A_62, %dma_wait3A_63] : memref<3x32x1024xf32, #tpu.memory_space<vmem>> -> memref<1x32x1024xf32, #tpu.memory_space<vmem>>
    %dma_wait3A_65 = tpu.memref_squeeze %dma_wait3A_64 : memref<1x32x1024xf32, #tpu.memory_space<vmem>> -> memref<32x1024xf32, #tpu.memory_space<vmem>>
    %dma_wait3A_66 = arith.constant 0 : i32
    %dma_wait3A_67 = arith.constant 0 : i32
    %dma_wait3A_68 = tpu.memref_slice %arg2[%dma_wait3A_66, %dma_wait3A_67] : memref<256x1024xf32, #tpu.memory_space<hbm>> -> memref<32x1024xf32, #tpu.memory_space<hbm>>
    %dma_wait3A_69 = arith.constant 0 : i32
    %dma_wait3A_70 = arith.constant 0 : i32
    %dma_wait3A_71 = tpu.memref_slice %arg6[%dma_wait3A_61, %dma_wait3A_69, %dma_wait3A_70] : memref<3x32x1024xf32, #tpu.memory_space<vmem>> -> memref<1x32x1024xf32, #tpu.memory_space<vmem>>
    %dma_wait3A_72 = tpu.memref_squeeze %dma_wait3A_71 : memref<1x32x1024xf32, #tpu.memory_space<vmem>> -> memref<32x1024xf32, #tpu.memory_space<vmem>>
    %dma_wait3A_73 = arith.constant 0 : i32
    %dma_wait3A_74 = arith.constant 0 : i32
    %dma_wait3A_75 = tpu.memref_slice %arg2[%dma_wait3A_73, %dma_wait3A_74] : memref<256x1024xf32, #tpu.memory_space<hbm>> -> memref<32x1024xf32, #tpu.memory_space<hbm>>
    tpu.wait_dma2 semaphore(%arg8 : memref<!tpu.dma_semaphore, #tpu.memory_space<semaphore_mem>>) src(%dma_wait3A_75 : memref<32x1024xf32, #tpu.memory_space<hbm>>) dst(%dma_wait3A_72 : memref<32x1024xf32, #tpu.memory_space<vmem>>)
    %add3A_76 = arith.constant 32 : i32
    %add3A_77 = arith.addi %mul3A_2, %add3A_76 : i32
    %dma_start3A_78 = arith.constant 1 : i32
    %dma_start3A_79 = arith.constant 0 : i32
    %dma_start3A_80 = arith.constant 0 : i32
    %dma_start3A_81 = tpu.memref_slice %arg6[%dma_start3A_78, %dma_start3A_79, %dma_start3A_80] : memref<3x32x1024xf32, #tpu.memory_space<vmem>> -> memref<1x32x1024xf32, #tpu.memory_space<vmem>>
    %dma_start3A_82 = tpu.memref_squeeze %dma_start3A_81 : memref<1x32x1024xf32, #tpu.memory_space<vmem>> -> memref<32x1024xf32, #tpu.memory_space<vmem>>
    %dma_start3A_83 = arith.constant 0 : i32
    %dma_start3A_84 = tpu.memref_slice %arg4[%add3A_77, %dma_start3A_83] : memref<32768x1024xf32, #tpu.memory_space<hbm>> -> memref<32x1024xf32, #tpu.memory_space<hbm>>
    %dma_start3A_85 = arith.constant 0 : i32
    %dma_start3A_86 = tpu.memref_slice %arg4[%add3A_77, %dma_start3A_85] : memref<32768x1024xf32, #tpu.memory_space<hbm>> -> memref<32x1024xf32, #tpu.memory_space<hbm>>
    %dma_start3A_87 = arith.constant 0 : i32
    %dma_start3A_88 = arith.constant 0 : i32
    %dma_start3A_89 = tpu.memref_slice %arg6[%dma_start3A_78, %dma_start3A_87, %dma_start3A_88] : memref<3x32x1024xf32, #tpu.memory_space<vmem>> -> memref<1x32x1024xf32, #tpu.memory_space<vmem>>
    %dma_start3A_90 = tpu.memref_squeeze %dma_start3A_89 : memref<1x32x1024xf32, #tpu.memory_space<vmem>> -> memref<32x1024xf32, #tpu.memory_space<vmem>>
    tpu.enqueue_dma source(%dma_start3A_90 : memref<32x1024xf32, #tpu.memory_space<vmem>>) target(%dma_start3A_86 : memref<32x1024xf32, #tpu.memory_space<hbm>>) target_semaphore(%arg11 : memref<!tpu.dma_semaphore, #tpu.memory_space<semaphore_mem>>)
    %dma_wait3A_91 = arith.constant 2 : i32
    %dma_wait3A_92 = arith.constant 0 : i32
    %dma_wait3A_93 = arith.constant 0 : i32
    %dma_wait3A_94 = tpu.memref_slice %arg6[%dma_wait3A_91, %dma_wait3A_92, %dma_wait3A_93] : memref<3x32x1024xf32, #tpu.memory_space<vmem>> -> memref<1x32x1024xf32, #tpu.memory_space<vmem>>
    %dma_wait3A_95 = tpu.memref_squeeze %dma_wait3A_94 : memref<1x32x1024xf32, #tpu.memory_space<vmem>> -> memref<32x1024xf32, #tpu.memory_space<vmem>>
    %dma_wait3A_96 = arith.constant 0 : i32
    %dma_wait3A_97 = arith.constant 0 : i32
    %dma_wait3A_98 = tpu.memref_slice %arg2[%dma_wait3A_96, %dma_wait3A_97] : memref<256x1024xf32, #tpu.memory_space<hbm>> -> memref<32x1024xf32, #tpu.memory_space<hbm>>
    %dma_wait3A_99 = arith.constant 0 : i32
    %dma_wait3A_100 = arith.constant 0 : i32
    %dma_wait3A_101 = tpu.memref_slice %arg6[%dma_wait3A_91, %dma_wait3A_99, %dma_wait3A_100] : memref<3x32x1024xf32, #tpu.memory_space<vmem>> -> memref<1x32x1024xf32, #tpu.memory_space<vmem>>
    %dma_wait3A_102 = tpu.memref_squeeze %dma_wait3A_101 : memref<1x32x1024xf32, #tpu.memory_space<vmem>> -> memref<32x1024xf32, #tpu.memory_space<vmem>>
    %dma_wait3A_103 = arith.constant 0 : i32
    %dma_wait3A_104 = arith.constant 0 : i32
    %dma_wait3A_105 = tpu.memref_slice %arg2[%dma_wait3A_103, %dma_wait3A_104] : memref<256x1024xf32, #tpu.memory_space<hbm>> -> memref<32x1024xf32, #tpu.memory_space<hbm>>
    tpu.wait_dma2 semaphore(%arg9 : memref<!tpu.dma_semaphore, #tpu.memory_space<semaphore_mem>>) src(%dma_wait3A_105 : memref<32x1024xf32, #tpu.memory_space<hbm>>) dst(%dma_wait3A_102 : memref<32x1024xf32, #tpu.memory_space<vmem>>)
    %add3A_106 = arith.constant 64 : i32
    %add3A_107 = arith.addi %mul3A_2, %add3A_106 : i32
    %dma_start3A_108 = arith.constant 2 : i32
    %dma_start3A_109 = arith.constant 0 : i32
    %dma_start3A_110 = arith.constant 0 : i32
    %dma_start3A_111 = tpu.memref_slice %arg6[%dma_start3A_108, %dma_start3A_109, %dma_start3A_110] : memref<3x32x1024xf32, #tpu.memory_space<vmem>> -> memref<1x32x1024xf32, #tpu.memory_space<vmem>>
    %dma_start3A_112 = tpu.memref_squeeze %dma_start3A_111 : memref<1x32x1024xf32, #tpu.memory_space<vmem>> -> memref<32x1024xf32, #tpu.memory_space<vmem>>
    %dma_start3A_113 = arith.constant 0 : i32
    %dma_start3A_114 = tpu.memref_slice %arg4[%add3A_107, %dma_start3A_113] : memref<32768x1024xf32, #tpu.memory_space<hbm>> -> memref<32x1024xf32, #tpu.memory_space<hbm>>
    %dma_start3A_115 = arith.constant 0 : i32
    %dma_start3A_116 = tpu.memref_slice %arg4[%add3A_107, %dma_start3A_115] : memref<32768x1024xf32, #tpu.memory_space<hbm>> -> memref<32x1024xf32, #tpu.memory_space<hbm>>
    %dma_start3A_117 = arith.constant 0 : i32
    %dma_start3A_118 = arith.constant 0 : i32
    %dma_start3A_119 = tpu.memref_slice %arg6[%dma_start3A_108, %dma_start3A_117, %dma_start3A_118] : memref<3x32x1024xf32, #tpu.memory_space<vmem>> -> memref<1x32x1024xf32, #tpu.memory_space<vmem>>
    %dma_start3A_120 = tpu.memref_squeeze %dma_start3A_119 : memref<1x32x1024xf32, #tpu.memory_space<vmem>> -> memref<32x1024xf32, #tpu.memory_space<vmem>>
    tpu.enqueue_dma source(%dma_start3A_120 : memref<32x1024xf32, #tpu.memory_space<vmem>>) target(%dma_start3A_116 : memref<32x1024xf32, #tpu.memory_space<hbm>>) target_semaphore(%arg12 : memref<!tpu.dma_semaphore, #tpu.memory_space<semaphore_mem>>)
    %scan3A = arith.constant 0 : i32
    %scan3A_121 = arith.constant 1 : i32
    %scan3A_122 = arith.constant 9 : i32
    %scan3A_123 = arith.addi %scan3A_121, %scan3A_122 : i32
    %scan3A_124 = arith.constant 1 : i32
    scf.for %scan3A_271 = %scan3A_121 to %scan3A_123 step %scan3A_124  : i32 {
      %mul3A_272 = arith.constant 3 : i32
      %mul3A_273 = arith.muli %scan3A_271, %mul3A_272 : i32
      %dma_wait3A_274 = arith.constant 0 : i32
      %dma_wait3A_275 = arith.constant 0 : i32
      %dma_wait3A_276 = arith.constant 0 : i32
      %dma_wait3A_277 = tpu.memref_slice %arg6[%dma_wait3A_274, %dma_wait3A_275, %dma_wait3A_276] : memref<3x32x1024xf32, #tpu.memory_space<vmem>> -> memref<1x32x1024xf32, #tpu.memory_space<vmem>>
      %dma_wait3A_278 = tpu.memref_squeeze %dma_wait3A_277 : memref<1x32x1024xf32, #tpu.memory_space<vmem>> -> memref<32x1024xf32, #tpu.memory_space<vmem>>
      %dma_wait3A_279 = arith.constant 0 : i32
      %dma_wait3A_280 = tpu.memref_slice %arg4[%mul3A_2, %dma_wait3A_279] : memref<32768x1024xf32, #tpu.memory_space<hbm>> -> memref<32x1024xf32, #tpu.memory_space<hbm>>
      %dma_wait3A_281 = arith.constant 0 : i32
      %dma_wait3A_282 = tpu.memref_slice %arg4[%mul3A_2, %dma_wait3A_281] : memref<32768x1024xf32, #tpu.memory_space<hbm>> -> memref<32x1024xf32, #tpu.memory_space<hbm>>
      %dma_wait3A_283 = arith.constant 0 : i32
      %dma_wait3A_284 = arith.constant 0 : i32
      %dma_wait3A_285 = tpu.memref_slice %arg6[%dma_wait3A_274, %dma_wait3A_283, %dma_wait3A_284] : memref<3x32x1024xf32, #tpu.memory_space<vmem>> -> memref<1x32x1024xf32, #tpu.memory_space<vmem>>
      %dma_wait3A_286 = tpu.memref_squeeze %dma_wait3A_285 : memref<1x32x1024xf32, #tpu.memory_space<vmem>> -> memref<32x1024xf32, #tpu.memory_space<vmem>>
      tpu.wait_dma2 semaphore(%arg10 : memref<!tpu.dma_semaphore, #tpu.memory_space<semaphore_mem>>) src(%dma_wait3A_286 : memref<32x1024xf32, #tpu.memory_space<vmem>>) dst(%dma_wait3A_282 : memref<32x1024xf32, #tpu.memory_space<hbm>>)
      %add3A_287 = arith.constant 0 : i32
      %add3A_288 = arith.addi %mul3A_273, %add3A_287 : i32
      %mul3A_289 = arith.constant 32 : i32
      %mul3A_290 = arith.muli %add3A_288, %mul3A_289 : i32
      %dma_start3A_291 = arith.constant 0 : i32
      %dma_start3A_292 = arith.constant 0 : i32
      %dma_start3A_293 = arith.constant 0 : i32
      %dma_start3A_294 = tpu.memref_slice %arg6[%dma_start3A_291, %dma_start3A_292, %dma_start3A_293] : memref<3x32x1024xf32, #tpu.memory_space<vmem>> -> memref<1x32x1024xf32, #tpu.memory_space<vmem>>
      %dma_start3A_295 = tpu.memref_squeeze %dma_start3A_294 : memref<1x32x1024xf32, #tpu.memory_space<vmem>> -> memref<32x1024xf32, #tpu.memory_space<vmem>>
      %dma_start3A_296 = tpu.memref_slice %arg5[%mul3A_290] : memref<1024xi32, #tpu.memory_space<vmem>> -> memref<32xi32, #tpu.memory_space<vmem>>
      %dma_start3A_297 = arith.constant 0 : i32
      %dma_start3A_298 = arith.constant 0 : i32
      %dma_start3A_299 = tpu.memref_slice %arg2[%dma_start3A_297, %dma_start3A_298] : memref<256x1024xf32, #tpu.memory_space<hbm>> -> memref<256x1024xf32, #tpu.memory_space<hbm>>
      tpu.enqueue_indirect_dma source(%dma_start3A_299 : memref<256x1024xf32, #tpu.memory_space<hbm>>) target(%dma_start3A_295 : memref<32x1024xf32, #tpu.memory_space<vmem>>) offsets(%dma_start3A_296 : memref<32xi32, #tpu.memory_space<vmem>>) semaphore(%arg7 : memref<!tpu.dma_semaphore, #tpu.memory_space<semaphore_mem>>)
      %dma_wait3A_300 = arith.constant 1 : i32
      %dma_wait3A_301 = arith.constant 0 : i32
      %dma_wait3A_302 = arith.constant 0 : i32
      %dma_wait3A_303 = tpu.memref_slice %arg6[%dma_wait3A_300, %dma_wait3A_301, %dma_wait3A_302] : memref<3x32x1024xf32, #tpu.memory_space<vmem>> -> memref<1x32x1024xf32, #tpu.memory_space<vmem>>
      %dma_wait3A_304 = tpu.memref_squeeze %dma_wait3A_303 : memref<1x32x1024xf32, #tpu.memory_space<vmem>> -> memref<32x1024xf32, #tpu.memory_space<vmem>>
      %dma_wait3A_305 = arith.constant 0 : i32
      %dma_wait3A_306 = tpu.memref_slice %arg4[%mul3A_2, %dma_wait3A_305] : memref<32768x1024xf32, #tpu.memory_space<hbm>> -> memref<32x1024xf32, #tpu.memory_space<hbm>>
      %dma_wait3A_307 = arith.constant 0 : i32
      %dma_wait3A_308 = tpu.memref_slice %arg4[%mul3A_2, %dma_wait3A_307] : memref<32768x1024xf32, #tpu.memory_space<hbm>> -> memref<32x1024xf32, #tpu.memory_space<hbm>>
      %dma_wait3A_309 = arith.constant 0 : i32
      %dma_wait3A_310 = arith.constant 0 : i32
      %dma_wait3A_311 = tpu.memref_slice %arg6[%dma_wait3A_300, %dma_wait3A_309, %dma_wait3A_310] : memref<3x32x1024xf32, #tpu.memory_space<vmem>> -> memref<1x32x1024xf32, #tpu.memory_space<vmem>>
      %dma_wait3A_312 = tpu.memref_squeeze %dma_wait3A_311 : memref<1x32x1024xf32, #tpu.memory_space<vmem>> -> memref<32x1024xf32, #tpu.memory_space<vmem>>
      tpu.wait_dma2 semaphore(%arg11 : memref<!tpu.dma_semaphore, #tpu.memory_space<semaphore_mem>>) src(%dma_wait3A_312 : memref<32x1024xf32, #tpu.memory_space<vmem>>) dst(%dma_wait3A_308 : memref<32x1024xf32, #tpu.memory_space<hbm>>)
      %add3A_313 = arith.constant 1 : i32
      %add3A_314 = arith.addi %mul3A_273, %add3A_313 : i32
      %mul3A_315 = arith.constant 32 : i32
      %mul3A_316 = arith.muli %add3A_314, %mul3A_315 : i32
      %dma_start3A_317 = arith.constant 1 : i32
      %dma_start3A_318 = arith.constant 0 : i32
      %dma_start3A_319 = arith.constant 0 : i32
      %dma_start3A_320 = tpu.memref_slice %arg6[%dma_start3A_317, %dma_start3A_318, %dma_start3A_319] : memref<3x32x1024xf32, #tpu.memory_space<vmem>> -> memref<1x32x1024xf32, #tpu.memory_space<vmem>>
      %dma_start3A_321 = tpu.memref_squeeze %dma_start3A_320 : memref<1x32x1024xf32, #tpu.memory_space<vmem>> -> memref<32x1024xf32, #tpu.memory_space<vmem>>
      %dma_start3A_322 = tpu.memref_slice %arg5[%mul3A_316] : memref<1024xi32, #tpu.memory_space<vmem>> -> memref<32xi32, #tpu.memory_space<vmem>>
      %dma_start3A_323 = arith.constant 0 : i32
      %dma_start3A_324 = arith.constant 0 : i32
      %dma_start3A_325 = tpu.memref_slice %arg2[%dma_start3A_323, %dma_start3A_324] : memref<256x1024xf32, #tpu.memory_space<hbm>> -> memref<256x1024xf32, #tpu.memory_space<hbm>>
      tpu.enqueue_indirect_dma source(%dma_start3A_325 : memref<256x1024xf32, #tpu.memory_space<hbm>>) target(%dma_start3A_321 : memref<32x1024xf32, #tpu.memory_space<vmem>>) offsets(%dma_start3A_322 : memref<32xi32, #tpu.memory_space<vmem>>) semaphore(%arg8 : memref<!tpu.dma_semaphore, #tpu.memory_space<semaphore_mem>>)
      %dma_wait3A_326 = arith.constant 2 : i32
      %dma_wait3A_327 = arith.constant 0 : i32
      %dma_wait3A_328 = arith.constant 0 : i32
      %dma_wait3A_329 = tpu.memref_slice %arg6[%dma_wait3A_326, %dma_wait3A_327, %dma_wait3A_328] : memref<3x32x1024xf32, #tpu.memory_space<vmem>> -> memref<1x32x1024xf32, #tpu.memory_space<vmem>>
      %dma_wait3A_330 = tpu.memref_squeeze %dma_wait3A_329 : memref<1x32x1024xf32, #tpu.memory_space<vmem>> -> memref<32x1024xf32, #tpu.memory_space<vmem>>
      %dma_wait3A_331 = arith.constant 0 : i32
      %dma_wait3A_332 = tpu.memref_slice %arg4[%mul3A_2, %dma_wait3A_331] : memref<32768x1024xf32, #tpu.memory_space<hbm>> -> memref<32x1024xf32, #tpu.memory_space<hbm>>
      %dma_wait3A_333 = arith.constant 0 : i32
      %dma_wait3A_334 = tpu.memref_slice %arg4[%mul3A_2, %dma_wait3A_333] : memref<32768x1024xf32, #tpu.memory_space<hbm>> -> memref<32x1024xf32, #tpu.memory_space<hbm>>
      %dma_wait3A_335 = arith.constant 0 : i32
      %dma_wait3A_336 = arith.constant 0 : i32
      %dma_wait3A_337 = tpu.memref_slice %arg6[%dma_wait3A_326, %dma_wait3A_335, %dma_wait3A_336] : memref<3x32x1024xf32, #tpu.memory_space<vmem>> -> memref<1x32x1024xf32, #tpu.memory_space<vmem>>
      %dma_wait3A_338 = tpu.memref_squeeze %dma_wait3A_337 : memref<1x32x1024xf32, #tpu.memory_space<vmem>> -> memref<32x1024xf32, #tpu.memory_space<vmem>>
      tpu.wait_dma2 semaphore(%arg12 : memref<!tpu.dma_semaphore, #tpu.memory_space<semaphore_mem>>) src(%dma_wait3A_338 : memref<32x1024xf32, #tpu.memory_space<vmem>>) dst(%dma_wait3A_334 : memref<32x1024xf32, #tpu.memory_space<hbm>>)
      %add3A_339 = arith.constant 2 : i32
      %add3A_340 = arith.addi %mul3A_273, %add3A_339 : i32
      %mul3A_341 = arith.constant 32 : i32
      %mul3A_342 = arith.muli %add3A_340, %mul3A_341 : i32
      %dma_start3A_343 = arith.constant 2 : i32
      %dma_start3A_344 = arith.constant 0 : i32
      %dma_start3A_345 = arith.constant 0 : i32
      %dma_start3A_346 = tpu.memref_slice %arg6[%dma_start3A_343, %dma_start3A_344, %dma_start3A_345] : memref<3x32x1024xf32, #tpu.memory_space<vmem>> -> memref<1x32x1024xf32, #tpu.memory_space<vmem>>
      %dma_start3A_347 = tpu.memref_squeeze %dma_start3A_346 : memref<1x32x1024xf32, #tpu.memory_space<vmem>> -> memref<32x1024xf32, #tpu.memory_space<vmem>>
      %dma_start3A_348 = tpu.memref_slice %arg5[%mul3A_342] : memref<1024xi32, #tpu.memory_space<vmem>> -> memref<32xi32, #tpu.memory_space<vmem>>
      %dma_start3A_349 = arith.constant 0 : i32
      %dma_start3A_350 = arith.constant 0 : i32
      %dma_start3A_351 = tpu.memref_slice %arg2[%dma_start3A_349, %dma_start3A_350] : memref<256x1024xf32, #tpu.memory_space<hbm>> -> memref<256x1024xf32, #tpu.memory_space<hbm>>
      tpu.enqueue_indirect_dma source(%dma_start3A_351 : memref<256x1024xf32, #tpu.memory_space<hbm>>) target(%dma_start3A_347 : memref<32x1024xf32, #tpu.memory_space<vmem>>) offsets(%dma_start3A_348 : memref<32xi32, #tpu.memory_space<vmem>>) semaphore(%arg9 : memref<!tpu.dma_semaphore, #tpu.memory_space<semaphore_mem>>)
      %dma_wait3A_352 = arith.constant 0 : i32
      %dma_wait3A_353 = arith.constant 0 : i32
      %dma_wait3A_354 = arith.constant 0 : i32
      %dma_wait3A_355 = tpu.memref_slice %arg6[%dma_wait3A_352, %dma_wait3A_353, %dma_wait3A_354] : memref<3x32x1024xf32, #tpu.memory_space<vmem>> -> memref<1x32x1024xf32, #tpu.memory_space<vmem>>
      %dma_wait3A_356 = tpu.memref_squeeze %dma_wait3A_355 : memref<1x32x1024xf32, #tpu.memory_space<vmem>> -> memref<32x1024xf32, #tpu.memory_space<vmem>>
      %dma_wait3A_357 = arith.constant 0 : i32
      %dma_wait3A_358 = arith.constant 0 : i32
      %dma_wait3A_359 = tpu.memref_slice %arg2[%dma_wait3A_357, %dma_wait3A_358] : memref<256x1024xf32, #tpu.memory_space<hbm>> -> memref<32x1024xf32, #tpu.memory_space<hbm>>
      %dma_wait3A_360 = arith.constant 0 : i32
      %dma_wait3A_361 = arith.constant 0 : i32
      %dma_wait3A_362 = tpu.memref_slice %arg6[%dma_wait3A_352, %dma_wait3A_360, %dma_wait3A_361] : memref<3x32x1024xf32, #tpu.memory_space<vmem>> -> memref<1x32x1024xf32, #tpu.memory_space<vmem>>
      %dma_wait3A_363 = tpu.memref_squeeze %dma_wait3A_362 : memref<1x32x1024xf32, #tpu.memory_space<vmem>> -> memref<32x1024xf32, #tpu.memory_space<vmem>>
      %dma_wait3A_364 = arith.constant 0 : i32
      %dma_wait3A_365 = arith.constant 0 : i32
      %dma_wait3A_366 = tpu.memref_slice %arg2[%dma_wait3A_364, %dma_wait3A_365] : memref<256x1024xf32, #tpu.memory_space<hbm>> -> memref<32x1024xf32, #tpu.memory_space<hbm>>
      tpu.wait_dma2 semaphore(%arg7 : memref<!tpu.dma_semaphore, #tpu.memory_space<semaphore_mem>>) src(%dma_wait3A_366 : memref<32x1024xf32, #tpu.memory_space<hbm>>) dst(%dma_wait3A_363 : memref<32x1024xf32, #tpu.memory_space<vmem>>)
      %add3A_367 = arith.constant 0 : i32
      %add3A_368 = arith.addi %mul3A_273, %add3A_367 : i32
      %mul3A_369 = arith.constant 32 : i32
      %mul3A_370 = arith.muli %add3A_368, %mul3A_369 : i32
      %add3A_371 = arith.addi %mul3A_2, %mul3A_370 : i32
      %dma_start3A_372 = arith.constant 0 : i32
      %dma_start3A_373 = arith.constant 0 : i32
      %dma_start3A_374 = arith.constant 0 : i32
      %dma_start3A_375 = tpu.memref_slice %arg6[%dma_start3A_372, %dma_start3A_373, %dma_start3A_374] : memref<3x32x1024xf32, #tpu.memory_space<vmem>> -> memref<1x32x1024xf32, #tpu.memory_space<vmem>>
      %dma_start3A_376 = tpu.memref_squeeze %dma_start3A_375 : memref<1x32x1024xf32, #tpu.memory_space<vmem>> -> memref<32x1024xf32, #tpu.memory_space<vmem>>
      %dma_start3A_377 = arith.constant 0 : i32
      %dma_start3A_378 = tpu.memref_slice %arg4[%add3A_371, %dma_start3A_377] : memref<32768x1024xf32, #tpu.memory_space<hbm>> -> memref<32x1024xf32, #tpu.memory_space<hbm>>
      %dma_start3A_379 = arith.constant 0 : i32
      %dma_start3A_380 = tpu.memref_slice %arg4[%add3A_371, %dma_start3A_379] : memref<32768x1024xf32, #tpu.memory_space<hbm>> -> memref<32x1024xf32, #tpu.memory_space<hbm>>
      %dma_start3A_381 = arith.constant 0 : i32
      %dma_start3A_382 = arith.constant 0 : i32
      %dma_start3A_383 = tpu.memref_slice %arg6[%dma_start3A_372, %dma_start3A_381, %dma_start3A_382] : memref<3x32x1024xf32, #tpu.memory_space<vmem>> -> memref<1x32x1024xf32, #tpu.memory_space<vmem>>
      %dma_start3A_384 = tpu.memref_squeeze %dma_start3A_383 : memref<1x32x1024xf32, #tpu.memory_space<vmem>> -> memref<32x1024xf32, #tpu.memory_space<vmem>>
      tpu.enqueue_dma source(%dma_start3A_384 : memref<32x1024xf32, #tpu.memory_space<vmem>>) target(%dma_start3A_380 : memref<32x1024xf32, #tpu.memory_space<hbm>>) target_semaphore(%arg10 : memref<!tpu.dma_semaphore, #tpu.memory_space<semaphore_mem>>)
      %dma_wait3A_385 = arith.constant 1 : i32
      %dma_wait3A_386 = arith.constant 0 : i32
      %dma_wait3A_387 = arith.constant 0 : i32
      %dma_wait3A_388 = tpu.memref_slice %arg6[%dma_wait3A_385, %dma_wait3A_386, %dma_wait3A_387] : memref<3x32x1024xf32, #tpu.memory_space<vmem>> -> memref<1x32x1024xf32, #tpu.memory_space<vmem>>
      %dma_wait3A_389 = tpu.memref_squeeze %dma_wait3A_388 : memref<1x32x1024xf32, #tpu.memory_space<vmem>> -> memref<32x1024xf32, #tpu.memory_space<vmem>>
      %dma_wait3A_390 = arith.constant 0 : i32
      %dma_wait3A_391 = arith.constant 0 : i32
      %dma_wait3A_392 = tpu.memref_slice %arg2[%dma_wait3A_390, %dma_wait3A_391] : memref<256x1024xf32, #tpu.memory_space<hbm>> -> memref<32x1024xf32, #tpu.memory_space<hbm>>
      %dma_wait3A_393 = arith.constant 0 : i32
      %dma_wait3A_394 = arith.constant 0 : i32
      %dma_wait3A_395 = tpu.memref_slice %arg6[%dma_wait3A_385, %dma_wait3A_393, %dma_wait3A_394] : memref<3x32x1024xf32, #tpu.memory_space<vmem>> -> memref<1x32x1024xf32, #tpu.memory_space<vmem>>
      %dma_wait3A_396 = tpu.memref_squeeze %dma_wait3A_395 : memref<1x32x1024xf32, #tpu.memory_space<vmem>> -> memref<32x1024xf32, #tpu.memory_space<vmem>>
      %dma_wait3A_397 = arith.constant 0 : i32
      %dma_wait3A_398 = arith.constant 0 : i32
      %dma_wait3A_399 = tpu.memref_slice %arg2[%dma_wait3A_397, %dma_wait3A_398] : memref<256x1024xf32, #tpu.memory_space<hbm>> -> memref<32x1024xf32, #tpu.memory_space<hbm>>
      tpu.wait_dma2 semaphore(%arg8 : memref<!tpu.dma_semaphore, #tpu.memory_space<semaphore_mem>>) src(%dma_wait3A_399 : memref<32x1024xf32, #tpu.memory_space<hbm>>) dst(%dma_wait3A_396 : memref<32x1024xf32, #tpu.memory_space<vmem>>)
      %add3A_400 = arith.constant 1 : i32
      %add3A_401 = arith.addi %mul3A_273, %add3A_400 : i32
      %mul3A_402 = arith.constant 32 : i32
      %mul3A_403 = arith.muli %add3A_401, %mul3A_402 : i32
      %add3A_404 = arith.addi %mul3A_2, %mul3A_403 : i32
      %dma_start3A_405 = arith.constant 1 : i32
      %dma_start3A_406 = arith.constant 0 : i32
      %dma_start3A_407 = arith.constant 0 : i32
      %dma_start3A_408 = tpu.memref_slice %arg6[%dma_start3A_405, %dma_start3A_406, %dma_start3A_407] : memref<3x32x1024xf32, #tpu.memory_space<vmem>> -> memref<1x32x1024xf32, #tpu.memory_space<vmem>>
      %dma_start3A_409 = tpu.memref_squeeze %dma_start3A_408 : memref<1x32x1024xf32, #tpu.memory_space<vmem>> -> memref<32x1024xf32, #tpu.memory_space<vmem>>
      %dma_start3A_410 = arith.constant 0 : i32
      %dma_start3A_411 = tpu.memref_slice %arg4[%add3A_404, %dma_start3A_410] : memref<32768x1024xf32, #tpu.memory_space<hbm>> -> memref<32x1024xf32, #tpu.memory_space<hbm>>
      %dma_start3A_412 = arith.constant 0 : i32
      %dma_start3A_413 = tpu.memref_slice %arg4[%add3A_404, %dma_start3A_412] : memref<32768x1024xf32, #tpu.memory_space<hbm>> -> memref<32x1024xf32, #tpu.memory_space<hbm>>
      %dma_start3A_414 = arith.constant 0 : i32
      %dma_start3A_415 = arith.constant 0 : i32
      %dma_start3A_416 = tpu.memref_slice %arg6[%dma_start3A_405, %dma_start3A_414, %dma_start3A_415] : memref<3x32x1024xf32, #tpu.memory_space<vmem>> -> memref<1x32x1024xf32, #tpu.memory_space<vmem>>
      %dma_start3A_417 = tpu.memref_squeeze %dma_start3A_416 : memref<1x32x1024xf32, #tpu.memory_space<vmem>> -> memref<32x1024xf32, #tpu.memory_space<vmem>>
      tpu.enqueue_dma source(%dma_start3A_417 : memref<32x1024xf32, #tpu.memory_space<vmem>>) target(%dma_start3A_413 : memref<32x1024xf32, #tpu.memory_space<hbm>>) target_semaphore(%arg11 : memref<!tpu.dma_semaphore, #tpu.memory_space<semaphore_mem>>)
      %dma_wait3A_418 = arith.constant 2 : i32
      %dma_wait3A_419 = arith.constant 0 : i32
      %dma_wait3A_420 = arith.constant 0 : i32
      %dma_wait3A_421 = tpu.memref_slice %arg6[%dma_wait3A_418, %dma_wait3A_419, %dma_wait3A_420] : memref<3x32x1024xf32, #tpu.memory_space<vmem>> -> memref<1x32x1024xf32, #tpu.memory_space<vmem>>
      %dma_wait3A_422 = tpu.memref_squeeze %dma_wait3A_421 : memref<1x32x1024xf32, #tpu.memory_space<vmem>> -> memref<32x1024xf32, #tpu.memory_space<vmem>>
      %dma_wait3A_423 = arith.constant 0 : i32
      %dma_wait3A_424 = arith.constant 0 : i32
      %dma_wait3A_425 = tpu.memref_slice %arg2[%dma_wait3A_423, %dma_wait3A_424] : memref<256x1024xf32, #tpu.memory_space<hbm>> -> memref<32x1024xf32, #tpu.memory_space<hbm>>
      %dma_wait3A_426 = arith.constant 0 : i32
      %dma_wait3A_427 = arith.constant 0 : i32
      %dma_wait3A_428 = tpu.memref_slice %arg6[%dma_wait3A_418, %dma_wait3A_426, %dma_wait3A_427] : memref<3x32x1024xf32, #tpu.memory_space<vmem>> -> memref<1x32x1024xf32, #tpu.memory_space<vmem>>
      %dma_wait3A_429 = tpu.memref_squeeze %dma_wait3A_428 : memref<1x32x1024xf32, #tpu.memory_space<vmem>> -> memref<32x1024xf32, #tpu.memory_space<vmem>>
      %dma_wait3A_430 = arith.constant 0 : i32
      %dma_wait3A_431 = arith.constant 0 : i32
      %dma_wait3A_432 = tpu.memref_slice %arg2[%dma_wait3A_430, %dma_wait3A_431] : memref<256x1024xf32, #tpu.memory_space<hbm>> -> memref<32x1024xf32, #tpu.memory_space<hbm>>
      tpu.wait_dma2 semaphore(%arg9 : memref<!tpu.dma_semaphore, #tpu.memory_space<semaphore_mem>>) src(%dma_wait3A_432 : memref<32x1024xf32, #tpu.memory_space<hbm>>) dst(%dma_wait3A_429 : memref<32x1024xf32, #tpu.memory_space<vmem>>)
      %add3A_433 = arith.constant 2 : i32
      %add3A_434 = arith.addi %mul3A_273, %add3A_433 : i32
      %mul3A_435 = arith.constant 32 : i32
      %mul3A_436 = arith.muli %add3A_434, %mul3A_435 : i32
      %add3A_437 = arith.addi %mul3A_2, %mul3A_436 : i32
      %dma_start3A_438 = arith.constant 2 : i32
      %dma_start3A_439 = arith.constant 0 : i32
      %dma_start3A_440 = arith.constant 0 : i32
      %dma_start3A_441 = tpu.memref_slice %arg6[%dma_start3A_438, %dma_start3A_439, %dma_start3A_440] : memref<3x32x1024xf32, #tpu.memory_space<vmem>> -> memref<1x32x1024xf32, #tpu.memory_space<vmem>>
      %dma_start3A_442 = tpu.memref_squeeze %dma_start3A_441 : memref<1x32x1024xf32, #tpu.memory_space<vmem>> -> memref<32x1024xf32, #tpu.memory_space<vmem>>
      %dma_start3A_443 = arith.constant 0 : i32
      %dma_start3A_444 = tpu.memref_slice %arg4[%add3A_437, %dma_start3A_443] : memref<32768x1024xf32, #tpu.memory_space<hbm>> -> memref<32x1024xf32, #tpu.memory_space<hbm>>
      %dma_start3A_445 = arith.constant 0 : i32
      %dma_start3A_446 = tpu.memref_slice %arg4[%add3A_437, %dma_start3A_445] : memref<32768x1024xf32, #tpu.memory_space<hbm>> -> memref<32x1024xf32, #tpu.memory_space<hbm>>
      %dma_start3A_447 = arith.constant 0 : i32
      %dma_start3A_448 = arith.constant 0 : i32
      %dma_start3A_449 = tpu.memref_slice %arg6[%dma_start3A_438, %dma_start3A_447, %dma_start3A_448] : memref<3x32x1024xf32, #tpu.memory_space<vmem>> -> memref<1x32x1024xf32, #tpu.memory_space<vmem>>
      %dma_start3A_450 = tpu.memref_squeeze %dma_start3A_449 : memref<1x32x1024xf32, #tpu.memory_space<vmem>> -> memref<32x1024xf32, #tpu.memory_space<vmem>>
      tpu.enqueue_dma source(%dma_start3A_450 : memref<32x1024xf32, #tpu.memory_space<vmem>>) target(%dma_start3A_446 : memref<32x1024xf32, #tpu.memory_space<hbm>>) target_semaphore(%arg12 : memref<!tpu.dma_semaphore, #tpu.memory_space<semaphore_mem>>)
    }
    %scan3A_125 = arith.constant 9 : i32
    %dma_wait3A_126 = arith.constant 0 : i32
    %dma_wait3A_127 = arith.constant 0 : i32
    %dma_wait3A_128 = arith.constant 0 : i32
    %dma_wait3A_129 = tpu.memref_slice %arg6[%dma_wait3A_126, %dma_wait3A_127, %dma_wait3A_128] : memref<3x32x1024xf32, #tpu.memory_space<vmem>> -> memref<1x32x1024xf32, #tpu.memory_space<vmem>>
    %dma_wait3A_130 = tpu.memref_squeeze %dma_wait3A_129 : memref<1x32x1024xf32, #tpu.memory_space<vmem>> -> memref<32x1024xf32, #tpu.memory_space<vmem>>
    %dma_wait3A_131 = arith.constant 0 : i32
    %dma_wait3A_132 = tpu.memref_slice %arg4[%mul3A_2, %dma_wait3A_131] : memref<32768x1024xf32, #tpu.memory_space<hbm>> -> memref<32x1024xf32, #tpu.memory_space<hbm>>
    %dma_wait3A_133 = arith.constant 0 : i32
    %dma_wait3A_134 = tpu.memref_slice %arg4[%mul3A_2, %dma_wait3A_133] : memref<32768x1024xf32, #tpu.memory_space<hbm>> -> memref<32x1024xf32, #tpu.memory_space<hbm>>
    %dma_wait3A_135 = arith.constant 0 : i32
    %dma_wait3A_136 = arith.constant 0 : i32
    %dma_wait3A_137 = tpu.memref_slice %arg6[%dma_wait3A_126, %dma_wait3A_135, %dma_wait3A_136] : memref<3x32x1024xf32, #tpu.memory_space<vmem>> -> memref<1x32x1024xf32, #tpu.memory_space<vmem>>
    %dma_wait3A_138 = tpu.memref_squeeze %dma_wait3A_137 : memref<1x32x1024xf32, #tpu.memory_space<vmem>> -> memref<32x1024xf32, #tpu.memory_space<vmem>>
    tpu.wait_dma2 semaphore(%arg10 : memref<!tpu.dma_semaphore, #tpu.memory_space<semaphore_mem>>) src(%dma_wait3A_138 : memref<32x1024xf32, #tpu.memory_space<vmem>>) dst(%dma_wait3A_134 : memref<32x1024xf32, #tpu.memory_space<hbm>>)
    %dma_start3A_139 = arith.constant 0 : i32
    %dma_start3A_140 = arith.constant 0 : i32
    %dma_start3A_141 = arith.constant 0 : i32
    %dma_start3A_142 = tpu.memref_slice %arg6[%dma_start3A_139, %dma_start3A_140, %dma_start3A_141] : memref<3x32x1024xf32, #tpu.memory_space<vmem>> -> memref<1x32x1024xf32, #tpu.memory_space<vmem>>
    %dma_start3A_143 = tpu.memref_squeeze %dma_start3A_142 : memref<1x32x1024xf32, #tpu.memory_space<vmem>> -> memref<32x1024xf32, #tpu.memory_space<vmem>>
    %dma_start3A_144 = arith.constant 960 : i32
    %dma_start3A_145 = tpu.memref_slice %arg5[%dma_start3A_144] : memref<1024xi32, #tpu.memory_space<vmem>> -> memref<32xi32, #tpu.memory_space<vmem>>
    %dma_start3A_146 = arith.constant 0 : i32
    %dma_start3A_147 = arith.constant 0 : i32
    %dma_start3A_148 = tpu.memref_slice %arg2[%dma_start3A_146, %dma_start3A_147] : memref<256x1024xf32, #tpu.memory_space<hbm>> -> memref<256x1024xf32, #tpu.memory_space<hbm>>
    tpu.enqueue_indirect_dma source(%dma_start3A_148 : memref<256x1024xf32, #tpu.memory_space<hbm>>) target(%dma_start3A_143 : memref<32x1024xf32, #tpu.memory_space<vmem>>) offsets(%dma_start3A_145 : memref<32xi32, #tpu.memory_space<vmem>>) semaphore(%arg7 : memref<!tpu.dma_semaphore, #tpu.memory_space<semaphore_mem>>)
    %dma_wait3A_149 = arith.constant 1 : i32
    %dma_wait3A_150 = arith.constant 0 : i32
    %dma_wait3A_151 = arith.constant 0 : i32
    %dma_wait3A_152 = tpu.memref_slice %arg6[%dma_wait3A_149, %dma_wait3A_150, %dma_wait3A_151] : memref<3x32x1024xf32, #tpu.memory_space<vmem>> -> memref<1x32x1024xf32, #tpu.memory_space<vmem>>
    %dma_wait3A_153 = tpu.memref_squeeze %dma_wait3A_152 : memref<1x32x1024xf32, #tpu.memory_space<vmem>> -> memref<32x1024xf32, #tpu.memory_space<vmem>>
    %dma_wait3A_154 = arith.constant 0 : i32
    %dma_wait3A_155 = tpu.memref_slice %arg4[%mul3A_2, %dma_wait3A_154] : memref<32768x1024xf32, #tpu.memory_space<hbm>> -> memref<32x1024xf32, #tpu.memory_space<hbm>>
    %dma_wait3A_156 = arith.constant 0 : i32
    %dma_wait3A_157 = tpu.memref_slice %arg4[%mul3A_2, %dma_wait3A_156] : memref<32768x1024xf32, #tpu.memory_space<hbm>> -> memref<32x1024xf32, #tpu.memory_space<hbm>>
    %dma_wait3A_158 = arith.constant 0 : i32
    %dma_wait3A_159 = arith.constant 0 : i32
    %dma_wait3A_160 = tpu.memref_slice %arg6[%dma_wait3A_149, %dma_wait3A_158, %dma_wait3A_159] : memref<3x32x1024xf32, #tpu.memory_space<vmem>> -> memref<1x32x1024xf32, #tpu.memory_space<vmem>>
    %dma_wait3A_161 = tpu.memref_squeeze %dma_wait3A_160 : memref<1x32x1024xf32, #tpu.memory_space<vmem>> -> memref<32x1024xf32, #tpu.memory_space<vmem>>
    tpu.wait_dma2 semaphore(%arg11 : memref<!tpu.dma_semaphore, #tpu.memory_space<semaphore_mem>>) src(%dma_wait3A_161 : memref<32x1024xf32, #tpu.memory_space<vmem>>) dst(%dma_wait3A_157 : memref<32x1024xf32, #tpu.memory_space<hbm>>)
    %dma_start3A_162 = arith.constant 1 : i32
    %dma_start3A_163 = arith.constant 0 : i32
    %dma_start3A_164 = arith.constant 0 : i32
    %dma_start3A_165 = tpu.memref_slice %arg6[%dma_start3A_162, %dma_start3A_163, %dma_start3A_164] : memref<3x32x1024xf32, #tpu.memory_space<vmem>> -> memref<1x32x1024xf32, #tpu.memory_space<vmem>>
    %dma_start3A_166 = tpu.memref_squeeze %dma_start3A_165 : memref<1x32x1024xf32, #tpu.memory_space<vmem>> -> memref<32x1024xf32, #tpu.memory_space<vmem>>
    %dma_start3A_167 = arith.constant 992 : i32
    %dma_start3A_168 = tpu.memref_slice %arg5[%dma_start3A_167] : memref<1024xi32, #tpu.memory_space<vmem>> -> memref<32xi32, #tpu.memory_space<vmem>>
    %dma_start3A_169 = arith.constant 0 : i32
    %dma_start3A_170 = arith.constant 0 : i32
    %dma_start3A_171 = tpu.memref_slice %arg2[%dma_start3A_169, %dma_start3A_170] : memref<256x1024xf32, #tpu.memory_space<hbm>> -> memref<256x1024xf32, #tpu.memory_space<hbm>>
    tpu.enqueue_indirect_dma source(%dma_start3A_171 : memref<256x1024xf32, #tpu.memory_space<hbm>>) target(%dma_start3A_166 : memref<32x1024xf32, #tpu.memory_space<vmem>>) offsets(%dma_start3A_168 : memref<32xi32, #tpu.memory_space<vmem>>) semaphore(%arg8 : memref<!tpu.dma_semaphore, #tpu.memory_space<semaphore_mem>>)
    %dma_wait3A_172 = arith.constant 0 : i32
    %dma_wait3A_173 = arith.constant 0 : i32
    %dma_wait3A_174 = arith.constant 0 : i32
    %dma_wait3A_175 = tpu.memref_slice %arg6[%dma_wait3A_172, %dma_wait3A_173, %dma_wait3A_174] : memref<3x32x1024xf32, #tpu.memory_space<vmem>> -> memref<1x32x1024xf32, #tpu.memory_space<vmem>>
    %dma_wait3A_176 = tpu.memref_squeeze %dma_wait3A_175 : memref<1x32x1024xf32, #tpu.memory_space<vmem>> -> memref<32x1024xf32, #tpu.memory_space<vmem>>
    %dma_wait3A_177 = arith.constant 0 : i32
    %dma_wait3A_178 = arith.constant 0 : i32
    %dma_wait3A_179 = tpu.memref_slice %arg2[%dma_wait3A_177, %dma_wait3A_178] : memref<256x1024xf32, #tpu.memory_space<hbm>> -> memref<32x1024xf32, #tpu.memory_space<hbm>>
    %dma_wait3A_180 = arith.constant 0 : i32
    %dma_wait3A_181 = arith.constant 0 : i32
    %dma_wait3A_182 = tpu.memref_slice %arg6[%dma_wait3A_172, %dma_wait3A_180, %dma_wait3A_181] : memref<3x32x1024xf32, #tpu.memory_space<vmem>> -> memref<1x32x1024xf32, #tpu.memory_space<vmem>>
    %dma_wait3A_183 = tpu.memref_squeeze %dma_wait3A_182 : memref<1x32x1024xf32, #tpu.memory_space<vmem>> -> memref<32x1024xf32, #tpu.memory_space<vmem>>
    %dma_wait3A_184 = arith.constant 0 : i32
    %dma_wait3A_185 = arith.constant 0 : i32
    %dma_wait3A_186 = tpu.memref_slice %arg2[%dma_wait3A_184, %dma_wait3A_185] : memref<256x1024xf32, #tpu.memory_space<hbm>> -> memref<32x1024xf32, #tpu.memory_space<hbm>>
    tpu.wait_dma2 semaphore(%arg7 : memref<!tpu.dma_semaphore, #tpu.memory_space<semaphore_mem>>) src(%dma_wait3A_186 : memref<32x1024xf32, #tpu.memory_space<hbm>>) dst(%dma_wait3A_183 : memref<32x1024xf32, #tpu.memory_space<vmem>>)
    %add3A_187 = arith.constant 960 : i32
    %add3A_188 = arith.addi %mul3A_2, %add3A_187 : i32
    %dma_start3A_189 = arith.constant 0 : i32
    %dma_start3A_190 = arith.constant 0 : i32
    %dma_start3A_191 = arith.constant 0 : i32
    %dma_start3A_192 = tpu.memref_slice %arg6[%dma_start3A_189, %dma_start3A_190, %dma_start3A_191] : memref<3x32x1024xf32, #tpu.memory_space<vmem>> -> memref<1x32x1024xf32, #tpu.memory_space<vmem>>
    %dma_start3A_193 = tpu.memref_squeeze %dma_start3A_192 : memref<1x32x1024xf32, #tpu.memory_space<vmem>> -> memref<32x1024xf32, #tpu.memory_space<vmem>>
    %dma_start3A_194 = arith.constant 0 : i32
    %dma_start3A_195 = tpu.memref_slice %arg4[%add3A_188, %dma_start3A_194] : memref<32768x1024xf32, #tpu.memory_space<hbm>> -> memref<32x1024xf32, #tpu.memory_space<hbm>>
    %dma_start3A_196 = arith.constant 0 : i32
    %dma_start3A_197 = tpu.memref_slice %arg4[%add3A_188, %dma_start3A_196] : memref<32768x1024xf32, #tpu.memory_space<hbm>> -> memref<32x1024xf32, #tpu.memory_space<hbm>>
    %dma_start3A_198 = arith.constant 0 : i32
    %dma_start3A_199 = arith.constant 0 : i32
    %dma_start3A_200 = tpu.memref_slice %arg6[%dma_start3A_189, %dma_start3A_198, %dma_start3A_199] : memref<3x32x1024xf32, #tpu.memory_space<vmem>> -> memref<1x32x1024xf32, #tpu.memory_space<vmem>>
    %dma_start3A_201 = tpu.memref_squeeze %dma_start3A_200 : memref<1x32x1024xf32, #tpu.memory_space<vmem>> -> memref<32x1024xf32, #tpu.memory_space<vmem>>
    tpu.enqueue_dma source(%dma_start3A_201 : memref<32x1024xf32, #tpu.memory_space<vmem>>) target(%dma_start3A_197 : memref<32x1024xf32, #tpu.memory_space<hbm>>) target_semaphore(%arg10 : memref<!tpu.dma_semaphore, #tpu.memory_space<semaphore_mem>>)
    %dma_wait3A_202 = arith.constant 1 : i32
    %dma_wait3A_203 = arith.constant 0 : i32
    %dma_wait3A_204 = arith.constant 0 : i32
    %dma_wait3A_205 = tpu.memref_slice %arg6[%dma_wait3A_202, %dma_wait3A_203, %dma_wait3A_204] : memref<3x32x1024xf32, #tpu.memory_space<vmem>> -> memref<1x32x1024xf32, #tpu.memory_space<vmem>>
    %dma_wait3A_206 = tpu.memref_squeeze %dma_wait3A_205 : memref<1x32x1024xf32, #tpu.memory_space<vmem>> -> memref<32x1024xf32, #tpu.memory_space<vmem>>
    %dma_wait3A_207 = arith.constant 0 : i32
    %dma_wait3A_208 = arith.constant 0 : i32
    %dma_wait3A_209 = tpu.memref_slice %arg2[%dma_wait3A_207, %dma_wait3A_208] : memref<256x1024xf32, #tpu.memory_space<hbm>> -> memref<32x1024xf32, #tpu.memory_space<hbm>>
    %dma_wait3A_210 = arith.constant 0 : i32
    %dma_wait3A_211 = arith.constant 0 : i32
    %dma_wait3A_212 = tpu.memref_slice %arg6[%dma_wait3A_202, %dma_wait3A_210, %dma_wait3A_211] : memref<3x32x1024xf32, #tpu.memory_space<vmem>> -> memref<1x32x1024xf32, #tpu.memory_space<vmem>>
    %dma_wait3A_213 = tpu.memref_squeeze %dma_wait3A_212 : memref<1x32x1024xf32, #tpu.memory_space<vmem>> -> memref<32x1024xf32, #tpu.memory_space<vmem>>
    %dma_wait3A_214 = arith.constant 0 : i32
    %dma_wait3A_215 = arith.constant 0 : i32
    %dma_wait3A_216 = tpu.memref_slice %arg2[%dma_wait3A_214, %dma_wait3A_215] : memref<256x1024xf32, #tpu.memory_space<hbm>> -> memref<32x1024xf32, #tpu.memory_space<hbm>>
    tpu.wait_dma2 semaphore(%arg8 : memref<!tpu.dma_semaphore, #tpu.memory_space<semaphore_mem>>) src(%dma_wait3A_216 : memref<32x1024xf32, #tpu.memory_space<hbm>>) dst(%dma_wait3A_213 : memref<32x1024xf32, #tpu.memory_space<vmem>>)
    %add3A_217 = arith.constant 992 : i32
    %add3A_218 = arith.addi %mul3A_2, %add3A_217 : i32
    %dma_start3A_219 = arith.constant 1 : i32
    %dma_start3A_220 = arith.constant 0 : i32
    %dma_start3A_221 = arith.constant 0 : i32
    %dma_start3A_222 = tpu.memref_slice %arg6[%dma_start3A_219, %dma_start3A_220, %dma_start3A_221] : memref<3x32x1024xf32, #tpu.memory_space<vmem>> -> memref<1x32x1024xf32, #tpu.memory_space<vmem>>
    %dma_start3A_223 = tpu.memref_squeeze %dma_start3A_222 : memref<1x32x1024xf32, #tpu.memory_space<vmem>> -> memref<32x1024xf32, #tpu.memory_space<vmem>>
    %dma_start3A_224 = arith.constant 0 : i32
    %dma_start3A_225 = tpu.memref_slice %arg4[%add3A_218, %dma_start3A_224] : memref<32768x1024xf32, #tpu.memory_space<hbm>> -> memref<32x1024xf32, #tpu.memory_space<hbm>>
    %dma_start3A_226 = arith.constant 0 : i32
    %dma_start3A_227 = tpu.memref_slice %arg4[%add3A_218, %dma_start3A_226] : memref<32768x1024xf32, #tpu.memory_space<hbm>> -> memref<32x1024xf32, #tpu.memory_space<hbm>>
    %dma_start3A_228 = arith.constant 0 : i32
    %dma_start3A_229 = arith.constant 0 : i32
    %dma_start3A_230 = tpu.memref_slice %arg6[%dma_start3A_219, %dma_start3A_228, %dma_start3A_229] : memref<3x32x1024xf32, #tpu.memory_space<vmem>> -> memref<1x32x1024xf32, #tpu.memory_space<vmem>>
    %dma_start3A_231 = tpu.memref_squeeze %dma_start3A_230 : memref<1x32x1024xf32, #tpu.memory_space<vmem>> -> memref<32x1024xf32, #tpu.memory_space<vmem>>
    tpu.enqueue_dma source(%dma_start3A_231 : memref<32x1024xf32, #tpu.memory_space<vmem>>) target(%dma_start3A_227 : memref<32x1024xf32, #tpu.memory_space<hbm>>) target_semaphore(%arg11 : memref<!tpu.dma_semaphore, #tpu.memory_space<semaphore_mem>>)
    %dma_wait3A_232 = arith.constant 0 : i32
    %dma_wait3A_233 = arith.constant 0 : i32
    %dma_wait3A_234 = arith.constant 0 : i32
    %dma_wait3A_235 = tpu.memref_slice %arg6[%dma_wait3A_232, %dma_wait3A_233, %dma_wait3A_234] : memref<3x32x1024xf32, #tpu.memory_space<vmem>> -> memref<1x32x1024xf32, #tpu.memory_space<vmem>>
    %dma_wait3A_236 = tpu.memref_squeeze %dma_wait3A_235 : memref<1x32x1024xf32, #tpu.memory_space<vmem>> -> memref<32x1024xf32, #tpu.memory_space<vmem>>
    %dma_wait3A_237 = arith.constant 0 : i32
    %dma_wait3A_238 = tpu.memref_slice %arg4[%mul3A_2, %dma_wait3A_237] : memref<32768x1024xf32, #tpu.memory_space<hbm>> -> memref<32x1024xf32, #tpu.memory_space<hbm>>
    %dma_wait3A_239 = arith.constant 0 : i32
    %dma_wait3A_240 = tpu.memref_slice %arg4[%mul3A_2, %dma_wait3A_239] : memref<32768x1024xf32, #tpu.memory_space<hbm>> -> memref<32x1024xf32, #tpu.memory_space<hbm>>
    %dma_wait3A_241 = arith.constant 0 : i32
    %dma_wait3A_242 = arith.constant 0 : i32
    %dma_wait3A_243 = tpu.memref_slice %arg6[%dma_wait3A_232, %dma_wait3A_241, %dma_wait3A_242] : memref<3x32x1024xf32, #tpu.memory_space<vmem>> -> memref<1x32x1024xf32, #tpu.memory_space<vmem>>
    %dma_wait3A_244 = tpu.memref_squeeze %dma_wait3A_243 : memref<1x32x1024xf32, #tpu.memory_space<vmem>> -> memref<32x1024xf32, #tpu.memory_space<vmem>>
    tpu.wait_dma2 semaphore(%arg10 : memref<!tpu.dma_semaphore, #tpu.memory_space<semaphore_mem>>) src(%dma_wait3A_244 : memref<32x1024xf32, #tpu.memory_space<vmem>>) dst(%dma_wait3A_240 : memref<32x1024xf32, #tpu.memory_space<hbm>>)
    %dma_wait3A_245 = arith.constant 1 : i32
    %dma_wait3A_246 = arith.constant 0 : i32
    %dma_wait3A_247 = arith.constant 0 : i32
    %dma_wait3A_248 = tpu.memref_slice %arg6[%dma_wait3A_245, %dma_wait3A_246, %dma_wait3A_247] : memref<3x32x1024xf32, #tpu.memory_space<vmem>> -> memref<1x32x1024xf32, #tpu.memory_space<vmem>>
    %dma_wait3A_249 = tpu.memref_squeeze %dma_wait3A_248 : memref<1x32x1024xf32, #tpu.memory_space<vmem>> -> memref<32x1024xf32, #tpu.memory_space<vmem>>
    %dma_wait3A_250 = arith.constant 0 : i32
    %dma_wait3A_251 = tpu.memref_slice %arg4[%mul3A_2, %dma_wait3A_250] : memref<32768x1024xf32, #tpu.memory_space<hbm>> -> memref<32x1024xf32, #tpu.memory_space<hbm>>
    %dma_wait3A_252 = arith.constant 0 : i32
    %dma_wait3A_253 = tpu.memref_slice %arg4[%mul3A_2, %dma_wait3A_252] : memref<32768x1024xf32, #tpu.memory_space<hbm>> -> memref<32x1024xf32, #tpu.memory_space<hbm>>
    %dma_wait3A_254 = arith.constant 0 : i32
    %dma_wait3A_255 = arith.constant 0 : i32
    %dma_wait3A_256 = tpu.memref_slice %arg6[%dma_wait3A_245, %dma_wait3A_254, %dma_wait3A_255] : memref<3x32x1024xf32, #tpu.memory_space<vmem>> -> memref<1x32x1024xf32, #tpu.memory_space<vmem>>
    %dma_wait3A_257 = tpu.memref_squeeze %dma_wait3A_256 : memref<1x32x1024xf32, #tpu.memory_space<vmem>> -> memref<32x1024xf32, #tpu.memory_space<vmem>>
    tpu.wait_dma2 semaphore(%arg11 : memref<!tpu.dma_semaphore, #tpu.memory_space<semaphore_mem>>) src(%dma_wait3A_257 : memref<32x1024xf32, #tpu.memory_space<vmem>>) dst(%dma_wait3A_253 : memref<32x1024xf32, #tpu.memory_space<hbm>>)
    %dma_wait3A_258 = arith.constant 2 : i32
    %dma_wait3A_259 = arith.constant 0 : i32
    %dma_wait3A_260 = arith.constant 0 : i32
    %dma_wait3A_261 = tpu.memref_slice %arg6[%dma_wait3A_258, %dma_wait3A_259, %dma_wait3A_260] : memref<3x32x1024xf32, #tpu.memory_space<vmem>> -> memref<1x32x1024xf32, #tpu.memory_space<vmem>>
    %dma_wait3A_262 = tpu.memref_squeeze %dma_wait3A_261 : memref<1x32x1024xf32, #tpu.memory_space<vmem>> -> memref<32x1024xf32, #tpu.memory_space<vmem>>
    %dma_wait3A_263 = arith.constant 0 : i32
    %dma_wait3A_264 = tpu.memref_slice %arg4[%mul3A_2, %dma_wait3A_263] : memref<32768x1024xf32, #tpu.memory_space<hbm>> -> memref<32x1024xf32, #tpu.memory_space<hbm>>
    %dma_wait3A_265 = arith.constant 0 : i32
    %dma_wait3A_266 = tpu.memref_slice %arg4[%mul3A_2, %dma_wait3A_265] : memref<32768x1024xf32, #tpu.memory_space<hbm>> -> memref<32x1024xf32, #tpu.memory_space<hbm>>
    %dma_wait3A_267 = arith.constant 0 : i32
    %dma_wait3A_268 = arith.constant 0 : i32
    %dma_wait3A_269 = tpu.memref_slice %arg6[%dma_wait3A_258, %dma_wait3A_267, %dma_wait3A_268] : memref<3x32x1024xf32, #tpu.memory_space<vmem>> -> memref<1x32x1024xf32, #tpu.memory_space<vmem>>
    %dma_wait3A_270 = tpu.memref_squeeze %dma_wait3A_269 : memref<1x32x1024xf32, #tpu.memory_space<vmem>> -> memref<32x1024xf32, #tpu.memory_space<vmem>>
    tpu.wait_dma2 semaphore(%arg12 : memref<!tpu.dma_semaphore, #tpu.memory_space<semaphore_mem>>) src(%dma_wait3A_270 : memref<32x1024xf32, #tpu.memory_space<vmem>>) dst(%dma_wait3A_266 : memref<32x1024xf32, #tpu.memory_space<hbm>>)
    return
  }
}

module attributes {stable_mosaic.version = 14 : i64} {
  func.func @_ln_table_body(%arg0: memref<256x1024xf32, #tpu.memory_space<vmem>>, %arg1: memref<1x1024xf32, #tpu.memory_space<vmem>>, %arg2: memref<1x1024xf32, #tpu.memory_space<vmem>>, %arg3: memref<256x1024xf32, #tpu.memory_space<vmem>>) attributes {dimension_semantics = [], scalar_prefetch = 0 : i64, scratch_operands = 0 : i64, tpu.core_type = #tpu.core_type<tc>} {
    %get3A = arith.constant 0 : index
    %get3A_0 = arith.constant 0 : index
    %get3A_1 = vector.load %arg0[%get3A, %get3A_0] : memref<256x1024xf32, #tpu.memory_space<vmem>>, vector<256x1024xf32>
    %reduce_sum3A = arith.constant dense<0.000000e+00> : vector<256xf32>
    %reduce_sum3A_2 = vector.multi_reduction <add>, %get3A_1, %reduce_sum3A [1] : vector<256x1024xf32> to vector<256xf32>
    %broadcast_in_dim3A = vector.shape_cast %reduce_sum3A_2 : vector<256xf32> to vector<256x1xf32>
    %div3A = arith.constant 1.024000e+03 : f32
    %div3A_3 = vector.broadcast %div3A : f32 to vector<256x1xf32>
    %div3A_4 = arith.divf %broadcast_in_dim3A, %div3A_3 : vector<256x1xf32>
    %sub3A = vector.broadcast %div3A_4 : vector<256x1xf32> to vector<256x1024xf32>
    %sub3A_5 = arith.subf %get3A_1, %sub3A : vector<256x1024xf32>
    %mul3A = arith.mulf %sub3A_5, %sub3A_5 : vector<256x1024xf32>
    %reduce_sum3A_6 = arith.constant dense<0.000000e+00> : vector<256xf32>
    %reduce_sum3A_7 = vector.multi_reduction <add>, %mul3A, %reduce_sum3A_6 [1] : vector<256x1024xf32> to vector<256xf32>
    %broadcast_in_dim3A_8 = vector.shape_cast %reduce_sum3A_7 : vector<256xf32> to vector<256x1xf32>
    %div3A_9 = arith.constant 1.024000e+03 : f32
    %div3A_10 = vector.broadcast %div3A_9 : f32 to vector<256x1xf32>
    %div3A_11 = arith.divf %broadcast_in_dim3A_8, %div3A_10 : vector<256x1xf32>
    %add3A = arith.constant 9.99999974E-6 : f32
    %add3A_12 = vector.broadcast %add3A : f32 to vector<256x1xf32>
    %add3A_13 = arith.addf %div3A_11, %add3A_12 : vector<256x1xf32>
    %rsqrt3A = math.rsqrt %add3A_13 : vector<256x1xf32>
    %mul3A_14 = vector.broadcast %rsqrt3A : vector<256x1xf32> to vector<256x1024xf32>
    %mul3A_15 = arith.mulf %sub3A_5, %mul3A_14 : vector<256x1024xf32>
    %get3A_16 = arith.constant 0 : index
    %get3A_17 = arith.constant 0 : index
    %get3A_18 = vector.load %arg1[%get3A_16, %get3A_17] : memref<1x1024xf32, #tpu.memory_space<vmem>>, vector<1x1024xf32>
    %mul3A_19 = vector.broadcast %get3A_18 : vector<1x1024xf32> to vector<256x1024xf32>
    %mul3A_20 = arith.mulf %mul3A_15, %mul3A_19 : vector<256x1024xf32>
    %get3A_21 = arith.constant 0 : index
    %get3A_22 = arith.constant 0 : index
    %get3A_23 = vector.load %arg2[%get3A_21, %get3A_22] : memref<1x1024xf32, #tpu.memory_space<vmem>>, vector<1x1024xf32>
    %add3A_24 = vector.broadcast %get3A_23 : vector<1x1024xf32> to vector<256x1024xf32>
    %add3A_25 = arith.addf %mul3A_20, %add3A_24 : vector<256x1024xf32>
    %swap3A = arith.constant 0 : index
    %swap3A_26 = arith.constant 0 : index
    %swap3A_27 = vector.load %arg3[%swap3A, %swap3A_26] : memref<256x1024xf32, #tpu.memory_space<vmem>>, vector<256x1024xf32>
    tpu.vector_store %arg3[%swap3A, %swap3A_26], %add3A_25 {strides = array<i32>} : memref<256x1024xf32, #tpu.memory_space<vmem>>, vector<256x1024xf32>,
    return
  }
}

</mosaic_0001>

<sc_bundles>
// kernel: kernel.4.cloned.1.call-start
scs
__scs_entry_jumppad:
0x0: {  	(pc) =	sbr.rel $0x88, $3  }
0x1: {  	(tag) =	ssettag $0x0;
	lr =	simm.s32 $0x1  }
0x2: {  	[smem:$0x3F9D] =	sst lr;
	_ =	strace $0xD0000000  }
0x3: {  	_ = 	snop  }
0x4: {  	_ = 	snop  }
0x5: {  	_ = 	snop  }
0x6: {  	_ = 	snop  }
0x7: {  	_ = 	snop  }
__scs_overlays_trampoline_lowered:
0x8: {  	[smem:$0x3FAC] =	sst s0  }
0x9: {  	[smem:$0x3FAD] =	sst s1  }
0xa: {  	[smem:$0x3FAE] =	sst s2  }
0xb: {  	[smem:$0x3FAF] =	sst s3  }
0xc: {  	[smem:$0x3FB0] =	sst s4  }
0xd: {  	[smem:$0x3FB1] =	sst s5  }
0xe: {  	[smem:$0x3FB2] =	sst s6  }
0xf: {  	[smem:$0x3FB3] =	sst s7  }
0x10: {  	[smem:$0x3FB4] =	sst s8  }
0x11: {  	[smem:$0x3FB5] =	sst s9;
	s0 =	simm.s32 @!p0 $0x0  }
0x12: {  	s1 =	sld [smem:$0x3F9B];
	s0 =	simm.s32 @p0 $0x1  }
0x13: {  	[smem:$0x3FB6] =	sst s0;
	s0 =	simm.s32 @!p1 $0x0  }
0x14: {  	s2 =	sld [smem:$0x3F9A];
	s0 =	simm.s32 @p1 $0x1  }
0x15: {  	[smem:$0x3FB7] =	sst s0;
	s0 =	simm.s32 @!p2 $0x0  }
0x16: {  	s3 =	sld [smem:$0x3FDB];
	s0 =	simm.s32 @p2 $0x1  }
0x17: {  	s4 =	simm.s32 $0x1BF5;
	[smem:$0x3FB9] =	sst s0  }
0x18: {  	s0 =	sld [smem:$0x3F9C];
	_ =	swait.ge [sflag:s4], $0x0  }
0x19: {  	s7 =	sld [smem:$0x3F9D]  }
0x1a: {  	s8 =	sadd.s32 $0xFFFFE003, lr  }
0x1b: {  	s9 =	sadd.s32 $0xFFFFFEF7, lr;
	s5 =	simm.s32 $0xFFFFFFFF;
	p2 =	slt.u32 s8, $0xFFFFF086  }
0x1c: {  	p1 =	slt.u32 s9, $0xF7A;
	s5 =	simm.s32 @!p2 $0x0  }
0x1d: {  	s5 =	simm.s32 @p1 $0x1;
	p0 =	seq.s32 s7, s2  }
0x1e: {  	s7 =	smul.u32 @!p0 $0xF7A, s2;
	p2 =	seq.s32 @!p0 s5, $0x0  }
0x1f: {  	s9 =	smul.u32 $0xF7A, s1;
	s8 =	simm.s32 @!p0 $0x1BF5;
	p2 =	por !p2, p0  }
0x20: {  	[sflag:s8] =	ssyncset.s32 @!p0 $0xFFFFF086;
	s6 =	sadd.s32 @!p0 s3, s7;
	s7 =	simm.s32 @!p0 $0x108  }
0x21: {  	s3 =	sadd.s32 s3, s9;
	s6 =	sadd.s32 @!p0 $0x88, s6;
	s7 =	simm.s32 @p2 $0x1082  }
0x22: {  	[simem:s7], [sflag:s8] =	dma.local @!p0 [hbm:s6], $0xF7A  }
0x23: {  	s9 =	sor.u32 $0xD0000000, s2;
	s6 =	simm.s32 $0x108;
	_ =	swait.ge @!p0 [sflag:s8], $0x0  }
0x24: {  	s3 =	sadd.s32 $0x88, s3;
	s6 =	simm.s32 @!p1 $0x1082;
	[sflag:s4] =	ssyncset.s32 $0xFFFFF086  }
0x25: {  	[simem:s6], [sflag:s4] =	dma.local [hbm:s3], $0xF7A  }
0x26: {  	[smem:$0x3F9D] =	sst s1;
	(tag) =	ssettag s2;
	_ =	strace s9  }
0x27: {  	s1 =	sld [smem:$0x3FAD]  }
0x28: {  	s2 =	sld [smem:$0x3FAE]  }
0x29: {  	s4 =	sld [smem:$0x3FB0]  }
0x2a: {  	p0 =	seq.s32 s5, $0x0;
	s5 =	sld [smem:$0x3FB1]  }
0x2b: {  	s6 =	sld [smem:$0x3FB2]  }
0x2c: {  	s7 =	sld [smem:$0x3FB3]  }
0x2d: {  	s3 =	simm.s32 $0x108;
	s8 =	sld [smem:$0x3FB4]  }
0x2e: {  	s3 =	simm.s32 @!p0 $0x1082;
	s9 =	sld [smem:$0x3FB5]  }
0x2f: {  	lr =	sadd.s32 s0, s3;
	s0 =	sld [smem:$0x3FAC]  }
0x30: {  	s3 =	sld [smem:$0x3FAF]  }
0x31: {  	[smem:$0x3FB8] =	sst s10  }
0x32: {  	s10 =	sld [smem:$0x3FB6];
	_ =	sdelay $0x3  }
0x33: {  	p0 =	seq.s32 s10, $0x1;
	s10 =	sld [smem:$0x3FB8];
	_ =	sdelay $0x3  }
0x34: {  	[smem:$0x3FB8] =	sst s10  }
0x35: {  	s10 =	sld [smem:$0x3FB7];
	_ =	sdelay $0x3  }
0x36: {  	p1 =	seq.s32 s10, $0x1;
	s10 =	sld [smem:$0x3FB8];
	_ =	sdelay $0x3  }
0x37: {  	[smem:$0x3FB8] =	sst s10  }
0x38: {  	s10 =	sld [smem:$0x3FB9]  }
0x39: {  	_ = 	snop;
	(pc) =	sbr.ind lr, $3  }
0x3a: {  	_ = 	snop  }
0x3b: {  	_ = 	snop  }
0x3c: {  	p2 =	seq.s32 s10, $0x1;
	s10 =	sld [smem:$0x3FB8]  }
0x3d: {  	_ =	shalt  }
0x3e: {  	_ =	shalt  }
0x3f: {  	_ =	shalt  }
0x40: {  	_ =	shalt  }
0x41: {  	_ =	shalt  }
0x42: {  	_ =	shalt  }
0x43: {  	_ =	shalt  }
0x44: {  	_ =	shalt  }
0x45: {  	_ =	shalt  }
0x46: {  	_ =	shalt  }
0x47: {  	_ =	shalt  }
0x48: {  	_ =	shalt  }
0x49: {  	_ =	shalt  }
0x4a: {  	_ =	shalt  }
0x4b: {  	_ =	shalt  }
0x4c: {  	_ =	shalt  }
0x4d: {  	_ =	shalt  }
0x4e: {  	_ =	shalt  }
0x4f: {  	_ =	shalt  }
0x50: {  	_ =	shalt  }
0x51: {  	_ =	shalt  }
0x52: {  	_ =	shalt  }
0x53: {  	_ =	shalt  }
0x54: {  	_ =	shalt  }
0x55: {  	_ =	shalt  }
0x56: {  	_ =	shalt  }
0x57: {  	_ =	shalt  }
0x58: {  	_ =	shalt  }
0x59: {  	_ =	shalt  }
0x5a: {  	_ =	shalt  }
0x5b: {  	_ =	shalt  }
0x5c: {  	_ =	shalt  }
0x5d: {  	_ =	shalt  }
0x5e: {  	_ =	shalt  }
0x5f: {  	_ =	shalt  }
0x60: {  	_ =	shalt  }
0x61: {  	_ =	shalt  }
0x62: {  	_ =	shalt  }
0x63: {  	_ =	shalt  }
0x64: {  	_ =	shalt  }
0x65: {  	_ =	shalt  }
0x66: {  	_ =	shalt  }
0x67: {  	_ =	shalt  }
0x68: {  	_ =	shalt  }
0x69: {  	_ =	shalt  }
0x6a: {  	_ =	shalt  }
0x6b: {  	_ =	shalt  }
0x6c: {  	_ =	shalt  }
0x6d: {  	_ =	shalt  }
0x6e: {  	_ =	shalt  }
0x6f: {  	_ =	shalt  }
0x70: {  	_ =	shalt  }
0x71: {  	_ =	shalt  }
0x72: {  	_ =	shalt  }
0x73: {  	_ =	shalt  }
0x74: {  	_ =	shalt  }
0x75: {  	_ =	shalt  }
0x76: {  	_ =	shalt  }
0x77: {  	_ =	shalt  }
0x78: {  	_ =	shalt  }
0x79: {  	_ =	shalt  }
0x7a: {  	_ =	shalt  }
0x7b: {  	_ =	shalt  }
0x7c: {  	_ =	shalt  }
0x7d: {  	_ =	shalt  }
0x7e: {  	_ =	shalt  }
0x7f: {  	_ =	shalt  }
0x80: {  	_ =	shalt  }
0x81: {  	_ =	shalt  }
0x82: {  	_ =	shalt  }
0x83: {  	_ =	shalt  }
0x84: {  	_ =	shalt  }
0x85: {  	_ =	shalt  }
0x86: {  	_ =	shalt  }
0x87: {  	_ =	shalt  }
.Lfunc_end0:
.L_simem_size_0:
called_computation_lowered:
.L_overlay_start_0:
0x88: {  	s2 =	sld [smem:$0x3FD9]  }
0x89: {  	s3 =	sld [smem:$0x3FFE];
	_ =	sdelay $0x1  }
0x8a: {  	s1 =	srdreg.scid  }
0x8b: {  	s0 =	sand.u32 $0x1, s1  }
0x8c: {  	s17 =	sshll.u32 s0, $0xA;
	s2 =	sadd.s32 s3, s2  }
0x8d: {  	s2 =	sadd.s32 s2, s17  }
0x8e: {  	[smem:$0x3FC4] =	sst s2  }
0x8f: {  	_ = 	snop  }
0x90: {  	s2 =	sld [smem:$0x3FD0];
	(tm) =	ssettm $0x1  }
0x91: {  	s18 =	sld [smem:$0x3FFB];
	_ =	sdelay $0x3  }
0x92: {  	_ =	strace s18  }
0x93: {  	s3 =	sld [smem:$0x3FFC];
	_ =	sdelay $0x3  }
0x94: {  	_ =	strace s3  }
0x95: {  	s3 =	sld [smem:$0x3FFD];
	_ =	sdelay $0x3  }
0x96: {  	_ =	strace s3  }
0x97: {  	_ =	strace $0x8FFFFFFF  }
0x98: {  	s19 =	sld [smem:$0x3FDB];
	_ =	sdelay $0x1  }
0x99: {  	s4 =	simm.s32 $_scs_section_size  }
0x9a: {  	s5 =	simm.s32 $_size__tile_overlayer_lowered;
	s6 =	simm.s32 $_tile_overlayer_lowered  }
0x9b: {  	s22 =	simm.s32 $0x1BFF;
	s21 =	sshll.u32 s6, $0x1;
	s3 =	sadd.s32 s4, s19  }
0x9c: {  	s7 =	simm.s32 $0x0;
	s20 =	sshll.u32 s5, $0x1;
	s5 =	sadd.s32 s21, s3  }
0x9d: {  	[timem:s7], [sflag:s22] =	dma.local [hbm:s5], s20  }
0x9e: {  	_ =	swait.ge [sflag:s22], s20  }
0x9f: {  	s4 =	ssub.s32 $0x0, s20;
	[sflag:s22] =	ssyncset.done $0x0  }
0xa0: {  	[sflag:s22] =	ssyncadd.s32 s4;
	_ =	sdelay $0x1  }
0xa1: {  	s23 =	simm.s32 $0x1B8B  }
0xa2: {  	_ =	swait.ge [sflag:s23], $0x1  }
0xa3: {  	[sflag:s23] =	ssyncset.done $0x0  }
0xa4: {  	s25 =	simm.s32 $0x1B8E;
	s24 =	sld [smem:$0x3FFE];
	[sflag:s23] =	ssyncadd.s32 $0xFFFFFFFF  }
0xa5: {  	s26 =	simm.s32 $execute0_lowered;
	[smem:$0x3FD2] =	sst s25  }
0xa6: {  	s5 =	sshll.u32 s26, $0x1;
	_ =	strace $0x80000046;
	[dreg:$0x1] =	wrdreg $0xFFFFFFFF  }
0xa7: {  	s28 =	simm.s32 $_size_execute0_lowered;
	s3 =	sadd.s32 s3, s5;
	[dreg:$0x0] =	wrdreg $0x0  }
0xa8: {  	s5 =	sshll.u32 s28, $0x1;
	[dreg:$0x2] =	wrdreg s3  }
0xa9: {  	[dreg:$0x3] =	wrdreg s5  }
0xaa: {  	[dreg:$0x4] =	wrdreg $0xC0  }
0xab: {  	_ =	task [dreg:s7], $0x5FFFF  }
0xac: {  	[dreg:$0x1] =	wrdreg $0xFFFFFFFF  }
0xad: {  	[dreg:$0x0] =	wrdreg $0x60  }
0xae: {  	[dreg:$0x2] =	wrdreg s24  }
0xaf: {  	[dreg:$0x3] =	wrdreg s2  }
0xb0: {  	[dreg:$0x4] =	wrdreg $0x9  }
0xb1: {  	_ =	task.clear_ibuf [dreg:s7], $0x5FFFF;
	_ =	strace $0x90000046  }
0xb2: {  	s29 =	simm.s32 $0x9;
	_ =	strace $0x80000048  }
0xb3: {  	_ =	swait.ge [sflag:s29], $0x1  }
0xb4: {  	[sflag:s29] =	ssyncadd.s32 $0xFFFFFFFF  }
0xb5: {  	_ =	strace $0x90000048  }
0xb6: {  	_ =	sfence  }
0xb7: {  	s30 =	sld [smem:$0x0];
	_ =	sdelay $0x2  }
0xb8: {  	s31 =	sshll.u32 s1, $0xD;
	s1 =	sshrl.u32 s1, $0x2  }
0xb9: {  	s3 =	sand.u32 $0x4000, s31;
	s1 =	sadd.s32 s1, s30  }
0xba: {  	s0 =	sor.u32 s3, s0;
	s1 =	sshll.u32 s1, $0x11  }
0xbb: {  	s0 =	sor.u32 s1, s0  }
0xbc: {  	s0 =	sadd.s32 $0x8F2B, s0  }
0xbd: {  	[sflag:s0] =	ssyncadd.remote.s32 $0x1  }
0xbe: {  	_ =	sfence.sel $0xFFFF  }
0xbf: {  	[dreg:$0x0] =	wrdreg $0xFFFFFFFF;
	(pc) =	sbr.abs _section_cstart, $3  }
0xc0: {  	[dreg:$0x1] =	wrdreg $0xFFFFFFFF  }
0xc1: {  	_ =	task.clear_ibuf [dreg:s7], $0x2FFFF;
	_ =	strace $0x9FFFFFFF  }
0xc2: {  	(tm) =	ssettm $0x7FFFFFFF  }
0xc3: {  	_ =	shalt  }
tec
execute0_lowered:
.L_overlay_start_1:
0x0: {  	(tag) =	ssettag $0x1  }
0x1: {  	s0 =	rddreg [dreg:$0x0]  }
0x2: {  	s1 =	rddreg [dreg:$0x1]  }
0x3: {  	s2 =	srdreg.scid;
	s10 =	stileid.u32  }
0x4: {  	s29 =	simm.s32 $0x10400;
	s30 =	simm.s32 $0x10C00;
	s16 =	simm.s32 $0x11400  }
0x5: {  	s17 =	simm.s32 $0x11C00;
	s11 =	simm.s32 $0x16C00;
	s15 =	simm.s32 $0x17C00  }
0x6: {  	s12 =	simm.s32 $0x1;
	s13 =	simm.s32 $0x3;
	s28 =	simm.s32 $0x6  }
0x7: {  	s31 =	simm.s32 $0x11C00;
	s4 =	sand.u32 $0x1, s2;
	s2 =	simm.s32 $0x0  }
0x8: {  	s3 =	sshll.u32 s10, $0xB;
	s22 =	sshll.u32 s10, $0x12;
	s10 =	simm.s32 $0x15C00  }
0x9: {  	s5 =	sshll.u32 s4, $0xA;
	[smem:$0x7FF] =	sst s2;
	s18 =	ssub.s32 $0x2, s4  }
0xa: {  	s24 =	sshll.u32 s4, $0x11;
	s4 =	simm.s32 $0x14400;
	s6 =	sor.u32 s5, s3  }
0xb: {  	_ =	strace $0x80000047;
	s8 =	sshrl.u32 s18, $0x1;
	s3 =	sadd.s32 $0x1C00, s0  }
0xc: {  	s5 =	sadd.s32 $0x1D00, s0;
	s7 =	sshrl.u32 s6, $0x3;
	s9 =	sshll.u32 s6, $0x7  }
0xd: {  	s8 =	ssub.s32 s18, s8;
	s6 =	sadd.s32 $0x1E00, s0;
	s9 =	sadd.s32 s1, s9  }
0xe: {  	s7 =	sadd.s32 s7, s0;
	s26 =	smax.u32 s8, $0x1;
	[dreg:$0x5] =	wrdreg s9  }
0xf: {  	s18 =	simm.s32 $0x12400;
	s19 =	sadd.s32 $0xC00, s7;
	[dreg:$0xa] =	wrdreg s26  }
0x10: {  	s8 =	simm.s32 $0x5;
	s20 =	sadd.s32 $0x1000, s9;
	[dreg:$0x4] =	wrdreg s19  }
0x11: {  	s7 =	sadd.s32 $0x1F00, s0;
	s21 =	sadd.s32 $0x2000, s9;
	[dreg:$0x6] =	wrdreg s20  }
0x12: {  	s23 =	sadd.s32 $0x1E000, s9;
	s0 =	sadd.s32 s22, s1;
	[dreg:$0x7] =	wrdreg s21  }
0x13: {  	s25 =	sadd.s32 $0x1F000, s9;
	s1 =	simm.s32 $0x13400;
	[dreg:$0x8] =	wrdreg s23  }
0x14: {  	s9 =	simm.s32 $0x15400;
	s26 =	simm.s32 $0x4;
	[dreg:$0x9] =	wrdreg s25  }
0x15: {  	v2 =	vlaneseq.u32;
	s0 =	sadd.s32 s24, s0;
	s19 =	simm.s32 $0x12C00;
	s20 =	simm.s32 $0x13C00  }
0x16: {  	vm0 =	vmmov $0xffff;
	v1 =	vshrl.u32 v2, $0x3;
	s21 =	simm.s32 $0x14C00;
	s23 =	simm.s32 $0x16400;
	s24 =	simm.s32 $0x17400  }
0x17: {  	v0 =	vand.u32 $0x7, v2;
	v2 =	vor.u32 $0x8, v2;
	v1 =	vmul.u32 $0x8, v1;
	s25 =	simm.s32 $0x2;
	[dreg:$0x3] =	wrdreg s0;
	s0 =	simm.s32 $0x0  }
.LBB2_1:
0x18: {  	[dreg:$0xb] =	wrdreg s0  }
0x19: {  	s14 =	rddreg [dreg:$0x4];
	s0 =	simm.s32 $0x7  }
0x1a: {  	[tilespmem:s2], [sflag:$0x7] =	stream.linear.gather [hbm4b:s14+s2], $0x400, $0x38;
	[tilespmem:$0x18400] =	vst v63  }
0x1b: {  	_ =	swait.ge [sflag:s0], $0x400  }
0x1c: {  	[sflag:s0] =	ssyncset.done $0x0  }
0x1d: {  	[sflag:s0] =	ssyncadd.s32 $0xFFFFFC00  }
0x1e: {  	v3 =	vld [tilespmem:$0x0];
	_ =	sdelay $0x4  }
0x1f: {  	v4 =	vshll.u32 v3, $0x3  }
0x20: {  	v3 =	vand.u32 $0x7, v3;
	v4 =	vand.u32 $0xFFFFFFC0, v4  }
0x21: {  	v3 =	vor.u32 v3, v4  }
0x22: {  	v4 =	vperm.xlane v3, v0;
	_ =	sdelay $0x1  }
0x23: {  	v4 =	vadd.s32 v1, v4;
	_ =	sdelay $0x3  }
0x24: {  	s0 =	simm.s32 $0x400  }
0x25: {  	[tilespmem:s0], [sflag:$0x1] =	stream.indirect_vreg.gather [hbm4b:s3+s2], $0x80, v4, vm0, $0xb8;
	[tilespmem:$0x18400] =	vst v63  }
0x26: {  	s22 =	simm.s32 $0xC00;
	v3 =	vperm.xlane v3, v2  }
0x27: {  	[tilespmem:s22], [sflag:$0x1] =	stream.indirect_vreg.gather [hbm4b:s5+s2], $0x80, v4, vm0, $0xb8;
	[tilespmem:$0x18400] =	vst v63  }
0x28: {  	v3 =	vadd.s32 v1, v3;
	s22 =	simm.s32 $0x1400  }
0x29: {  	[tilespmem:s22], [sflag:$0x1] =	stream.indirect_vreg.gather [hbm4b:s6+s2], $0x80, v4, vm0, $0xb8;
	[tilespmem:$0x18400] =	vst v63  }
0x2a: {  	s22 =	simm.s32 $0x1C00  }
0x2b: {  	[tilespmem:s22], [sflag:$0x1] =	stream.indirect_vreg.gather [hbm4b:s7+s2], $0x80, v4, vm0, $0xb8;
	[tilespmem:$0x18400] =	vst v63  }
0x2c: {  	s22 =	simm.s32 $0x2400  }
0x2d: {  	[tilespmem:s22], [sflag:$0x1] =	stream.indirect_vreg.gather [hbm4b:s3+s2], $0x80, v3, vm0, $0xb8;
	[tilespmem:$0x18400] =	vst v63  }
0x2e: {  	s22 =	simm.s32 $0x2C00  }
0x2f: {  	[tilespmem:s22], [sflag:$0x1] =	stream.indirect_vreg.gather [hbm4b:s5+s2], $0x80, v3, vm0, $0xb8;
	[tilespmem:$0x18400] =	vst v63  }
0x30: {  	s22 =	simm.s32 $0x3400  }
0x31: {  	[tilespmem:s22], [sflag:$0x1] =	stream.indirect_vreg.gather [hbm4b:s6+s2], $0x80, v3, vm0, $0xb8;
	[tilespmem:$0x18400] =	vst v63  }
0x32: {  	s22 =	simm.s32 $0x3C00  }
0x33: {  	[tilespmem:s22], [sflag:$0x1] =	stream.indirect_vreg.gather [hbm4b:s7+s2], $0x80, v3, vm0, $0xb8;
	[tilespmem:$0x18400] =	vst v63  }
0x34: {  	v3 =	vld [tilespmem:$0x10];
	_ =	sdelay $0x4  }
0x35: {  	v59 =	vshll.u32 v3, $0x3  }
0x36: {  	v3 =	vand.u32 $0x7, v3;
	v4 =	vand.u32 $0xFFFFFFC0, v59  }
0x37: {  	v3 =	vor.u32 v3, v4  }
0x38: {  	v4 =	vperm.xlane v3, v0;
	_ =	sdelay $0x1  }
0x39: {  	v4 =	vadd.s32 v1, v4;
	_ =	sdelay $0x3  }
0x3a: {  	s22 =	simm.s32 $0x4400  }
0x3b: {  	[tilespmem:s22], [sflag:$0x1] =	stream.indirect_vreg.gather [hbm4b:s3+s2], $0x80, v4, vm0, $0xb8;
	[tilespmem:$0x18400] =	vst v63  }
0x3c: {  	v3 =	vperm.xlane v3, v2;
	s22 =	simm.s32 $0x4C00  }
0x3d: {  	[tilespmem:s22], [sflag:$0x1] =	stream.indirect_vreg.gather [hbm4b:s5+s2], $0x80, v4, vm0, $0xb8;
	[tilespmem:$0x18400] =	vst v63  }
0x3e: {  	v3 =	vadd.s32 v1, v3;
	s22 =	simm.s32 $0x5400  }
0x3f: {  	[tilespmem:s22], [sflag:$0x1] =	stream.indirect_vreg.gather [hbm4b:s6+s2], $0x80, v4, vm0, $0xb8;
	[tilespmem:$0x18400] =	vst v63  }
0x40: {  	s22 =	simm.s32 $0x5C00  }
0x41: {  	[tilespmem:s22], [sflag:$0x1] =	stream.indirect_vreg.gather [hbm4b:s7+s2], $0x80, v4, vm0, $0xb8;
	[tilespmem:$0x18400] =	vst v63  }
0x42: {  	s22 =	simm.s32 $0x6400  }
0x43: {  	[tilespmem:s22], [sflag:$0x1] =	stream.indirect_vreg.gather [hbm4b:s3+s2], $0x80, v3, vm0, $0xb8;
	[tilespmem:$0x18400] =	vst v63  }
0x44: {  	s22 =	simm.s32 $0x6C00  }
0x45: {  	[tilespmem:s22], [sflag:$0x1] =	stream.indirect_vreg.gather [hbm4b:s5+s2], $0x80, v3, vm0, $0xb8;
	[tilespmem:$0x18400] =	vst v63  }
0x46: {  	s22 =	simm.s32 $0x7400  }
0x47: {  	[tilespmem:s22], [sflag:$0x1] =	stream.indirect_vreg.gather [hbm4b:s6+s2], $0x80, v3, vm0, $0xb8;
	[tilespmem:$0x18400] =	vst v63  }
0x48: {  	s22 =	simm.s32 $0x7C00  }
0x49: {  	[tilespmem:s22], [sflag:$0x1] =	stream.indirect_vreg.gather [hbm4b:s7+s2], $0x80, v3, vm0, $0xb8;
	[tilespmem:$0x18400] =	vst v63  }
0x4a: {  	v3 =	vld [tilespmem:$0x20];
	_ =	sdelay $0x4  }
0x4b: {  	v60 =	vshll.u32 v3, $0x3  }
0x4c: {  	v3 =	vand.u32 $0x7, v3;
	v4 =	vand.u32 $0xFFFFFFC0, v60  }
0x4d: {  	v3 =	vor.u32 v3, v4  }
0x4e: {  	v4 =	vperm.xlane v3, v0;
	_ =	sdelay $0x1  }
0x4f: {  	v4 =	vadd.s32 v1, v4;
	_ =	sdelay $0x3  }
0x50: {  	s22 =	simm.s32 $0x8400  }
0x51: {  	[tilespmem:s22], [sflag:$0x2] =	stream.indirect_vreg.gather [hbm4b:s3+s2], $0x80, v4, vm0, $0xb8;
	[tilespmem:$0x18400] =	vst v63  }
0x52: {  	s14 =	simm.s32 $0x8C00;
	v3 =	vperm.xlane v3, v2  }
0x53: {  	[tilespmem:s14], [sflag:$0x2] =	stream.indirect_vreg.gather [hbm4b:s5+s2], $0x80, v4, vm0, $0xb8;
	[tilespmem:$0x18400] =	vst v63  }
0x54: {  	v3 =	vadd.s32 v1, v3;
	s14 =	simm.s32 $0x9400  }
0x55: {  	[tilespmem:s14], [sflag:$0x2] =	stream.indirect_vreg.gather [hbm4b:s6+s2], $0x80, v4, vm0, $0xb8;
	[tilespmem:$0x18400] =	vst v63  }
0x56: {  	s14 =	simm.s32 $0x9C00  }
0x57: {  	[tilespmem:s14], [sflag:$0x2] =	stream.indirect_vreg.gather [hbm4b:s7+s2], $0x80, v4, vm0, $0xb8;
	[tilespmem:$0x18400] =	vst v63  }
0x58: {  	s14 =	simm.s32 $0xA400  }
0x59: {  	[tilespmem:s14], [sflag:$0x2] =	stream.indirect_vreg.gather [hbm4b:s3+s2], $0x80, v3, vm0, $0xb8;
	[tilespmem:$0x18400] =	vst v63  }
0x5a: {  	s14 =	simm.s32 $0xAC00  }
0x5b: {  	[tilespmem:s14], [sflag:$0x2] =	stream.indirect_vreg.gather [hbm4b:s5+s2], $0x80, v3, vm0, $0xb8;
	[tilespmem:$0x18400] =	vst v63  }
0x5c: {  	s14 =	simm.s32 $0xB400  }
0x5d: {  	[tilespmem:s14], [sflag:$0x2] =	stream.indirect_vreg.gather [hbm4b:s6+s2], $0x80, v3, vm0, $0xb8;
	[tilespmem:$0x18400] =	vst v63  }
0x5e: {  	s14 =	simm.s32 $0xBC00  }
0x5f: {  	[tilespmem:s14], [sflag:$0x2] =	stream.indirect_vreg.gather [hbm4b:s7+s2], $0x80, v3, vm0, $0xb8;
	[tilespmem:$0x18400] =	vst v63  }
0x60: {  	v3 =	vld [tilespmem:$0x30];
	_ =	sdelay $0x4  }
0x61: {  	v61 =	vshll.u32 v3, $0x3  }
0x62: {  	v3 =	vand.u32 $0x7, v3;
	v4 =	vand.u32 $0xFFFFFFC0, v61  }
0x63: {  	v3 =	vor.u32 v3, v4  }
0x64: {  	v4 =	vperm.xlane v3, v0;
	_ =	sdelay $0x1  }
0x65: {  	v4 =	vadd.s32 v1, v4;
	_ =	sdelay $0x3  }
0x66: {  	s14 =	simm.s32 $0xC400  }
0x67: {  	[tilespmem:s14], [sflag:$0x2] =	stream.indirect_vreg.gather [hbm4b:s3+s2], $0x80, v4, vm0, $0xb8;
	[tilespmem:$0x18400] =	vst v63  }
0x68: {  	v3 =	vperm.xlane v3, v2;
	s14 =	simm.s32 $0xCC00  }
0x69: {  	[tilespmem:s14], [sflag:$0x2] =	stream.indirect_vreg.gather [hbm4b:s5+s2], $0x80, v4, vm0, $0xb8;
	[tilespmem:$0x18400] =	vst v63  }
0x6a: {  	v3 =	vadd.s32 v1, v3;
	s14 =	simm.s32 $0xD400  }
0x6b: {  	[tilespmem:s14], [sflag:$0x2] =	stream.indirect_vreg.gather [hbm4b:s6+s2], $0x80, v4, vm0, $0xb8;
	[tilespmem:$0x18400] =	vst v63  }
0x6c: {  	s14 =	simm.s32 $0xDC00  }
0x6d: {  	[tilespmem:s14], [sflag:$0x2] =	stream.indirect_vreg.gather [hbm4b:s7+s2], $0x80, v4, vm0, $0xb8;
	[tilespmem:$0x18400] =	vst v63  }
0x6e: {  	s14 =	simm.s32 $0xE400  }
0x6f: {  	[tilespmem:s14], [sflag:$0x2] =	stream.indirect_vreg.gather [hbm4b:s3+s2], $0x80, v3, vm0, $0xb8;
	[tilespmem:$0x18400] =	vst v63  }
0x70: {  	s14 =	simm.s32 $0xEC00  }
0x71: {  	[tilespmem:s14], [sflag:$0x2] =	stream.indirect_vreg.gather [hbm4b:s5+s2], $0x80, v3, vm0, $0xb8;
	[tilespmem:$0x18400] =	vst v63  }
0x72: {  	s14 =	simm.s32 $0xF400  }
0x73: {  	[tilespmem:s14], [sflag:$0x2] =	stream.indirect_vreg.gather [hbm4b:s6+s2], $0x80, v3, vm0, $0xb8;
	[tilespmem:$0x18400] =	vst v63  }
0x74: {  	s14 =	simm.s32 $0xFC00  }
0x75: {  	[tilespmem:s14], [sflag:$0x2] =	stream.indirect_vreg.gather [hbm4b:s7+s2], $0x80, v3, vm0, $0xb8;
	[tilespmem:$0x18400] =	vst v63  }
0x76: {  	v3 =	vld [tilespmem:$0x40];
	_ =	sdelay $0x4  }
0x77: {  	v62 =	vshll.u32 v3, $0x3  }
0x78: {  	v3 =	vand.u32 $0x7, v3;
	v4 =	vand.u32 $0xFFFFFFC0, v62  }
0x79: {  	v3 =	vor.u32 v3, v4  }
0x7a: {  	v4 =	vperm.xlane v3, v0;
	_ =	sdelay $0x1  }
0x7b: {  	v4 =	vadd.s32 v1, v4;
	_ =	sdelay $0x4  }
0x7c: {  	[tilespmem:s29], [sflag:$0x3] =	stream.indirect_vreg.gather [hbm4b:s3+s2], $0x80, v4, vm0, $0xb8;
	[tilespmem:$0x18400] =	vst v63  }
0x7d: {  	v3 =	vperm.xlane v3, v2  }
0x7e: {  	[tilespmem:s30], [sflag:$0x3] =	stream.indirect_vreg.gather [hbm4b:s5+s2], $0x80, v4, vm0, $0xb8;
	[tilespmem:$0x18400] =	vst v63  }
0x7f: {  	v3 =	vadd.s32 v1, v3  }
0x80: {  	[tilespmem:s16], [sflag:$0x3] =	stream.indirect_vreg.gather [hbm4b:s6+s2], $0x80, v4, vm0, $0xb8;
	[tilespmem:$0x18400] =	vst v63  }
0x81: {  	_ = 	snop  }
0x82: {  	[tilespmem:s17], [sflag:$0x3] =	stream.indirect_vreg.gather [hbm4b:s7+s2], $0x80, v4, vm0, $0xb8;
	[tilespmem:$0x18400] =	vst v63  }
0x83: {  	_ = 	snop  }
0x84: {  	[tilespmem:s18], [sflag:$0x3] =	stream.indirect_vreg.gather [hbm4b:s3+s2], $0x80, v3, vm0, $0xb8;
	[tilespmem:$0x18400] =	vst v63  }
0x85: {  	_ = 	snop  }
0x86: {  	[tilespmem:s19], [sflag:$0x3] =	stream.indirect_vreg.gather [hbm4b:s5+s2], $0x80, v3, vm0, $0xb8;
	[tilespmem:$0x18400] =	vst v63  }
0x87: {  	_ = 	snop  }
0x88: {  	[tilespmem:s1], [sflag:$0x3] =	stream.indirect_vreg.gather [hbm4b:s6+s2], $0x80, v3, vm0, $0xb8;
	[tilespmem:$0x18400] =	vst v63  }
0x89: {  	_ = 	snop  }
0x8a: {  	[tilespmem:s20], [sflag:$0x3] =	stream.indirect_vreg.gather [hbm4b:s7+s2], $0x80, v3, vm0, $0xb8;
	[tilespmem:$0x18400] =	vst v63  }
0x8b: {  	v3 =	vld [tilespmem:$0x50];
	_ =	sdelay $0x4  }
0x8c: {  	v63 =	vshll.u32 v3, $0x3  }
0x8d: {  	v3 =	vand.u32 $0x7, v3;
	v4 =	vand.u32 $0xFFFFFFC0, v63  }
0x8e: {  	v3 =	vor.u32 v3, v4  }
0x8f: {  	v4 =	vperm.xlane v3, v0;
	_ =	sdelay $0x1  }
0x90: {  	v4 =	vadd.s32 v1, v4;
	_ =	sdelay $0x4  }
0x91: {  	[tilespmem:s4], [sflag:$0x3] =	stream.indirect_vreg.gather [hbm4b:s3+s2], $0x80, v4, vm0, $0xb8;
	[tilespmem:$0x18400] =	vst v63  }
0x92: {  	v3 =	vperm.xlane v3, v2  }
0x93: {  	[tilespmem:s21], [sflag:$0x3] =	stream.indirect_vreg.gather [hbm4b:s5+s2], $0x80, v4, vm0, $0xb8;
	[tilespmem:$0x18400] =	vst v63  }
0x94: {  	v3 =	vadd.s32 v1, v3  }
0x95: {  	[tilespmem:s9], [sflag:$0x3] =	stream.indirect_vreg.gather [hbm4b:s6+s2], $0x80, v4, vm0, $0xb8;
	[tilespmem:$0x18400] =	vst v63  }
0x96: {  	_ = 	snop  }
0x97: {  	[tilespmem:s10], [sflag:$0x3] =	stream.indirect_vreg.gather [hbm4b:s7+s2], $0x80, v4, vm0, $0xb8;
	[tilespmem:$0x18400] =	vst v63  }
0x98: {  	_ = 	snop  }
0x99: {  	[tilespmem:s23], [sflag:$0x3] =	stream.indirect_vreg.gather [hbm4b:s3+s2], $0x80, v3, vm0, $0xb8;
	[tilespmem:$0x18400] =	vst v63  }
0x9a: {  	_ = 	snop  }
0x9b: {  	[tilespmem:s11], [sflag:$0x3] =	stream.indirect_vreg.gather [hbm4b:s5+s2], $0x80, v3, vm0, $0xb8;
	[tilespmem:$0x18400] =	vst v63  }
0x9c: {  	_ = 	snop  }
0x9d: {  	[tilespmem:s24], [sflag:$0x3] =	stream.indirect_vreg.gather [hbm4b:s6+s2], $0x80, v3, vm0, $0xb8;
	[tilespmem:$0x18400] =	vst v63  }
0x9e: {  	_ = 	snop  }
0x9f: {  	[tilespmem:s15], [sflag:$0x3] =	stream.indirect_vreg.gather [hbm4b:s7+s2], $0x80, v3, vm0, $0xb8;
	[tilespmem:$0x18400] =	vst v63  }
0xa0: {  	_ =	swait.ge [sflag:s12], $0x8000  }
0xa1: {  	s14 =	simm.s32 $0xB0;
	[sflag:s12] =	ssyncset.done $0x0  }
0xa2: {  	s17 =	simm.s32 $0x11400;
	s21 =	rddreg [dreg:$0x5];
	[sflag:s12] =	ssyncadd.s32 $0xFFFF8000  }
0xa3: {  	[hbm4b:s21+s2] =	stream.linear.scatter [tilespmem:s0], [sflag:$0x4], $0x8000, $0x38;
	[tilespmem:$0x18400] =	vst v63  }
0xa4: {  	s18 =	simm.s32 $0x10400;
	s19 =	simm.s32 $0x12C00;
	_ =	swait.ge [sflag:s25], $0x8000  }
0xa5: {  	s1 =	simm.s32 $0x13400;
	s20 =	simm.s32 $0x13C00;
	[sflag:s25] =	ssyncset.done $0x0  }
0xa6: {  	s4 =	simm.s32 $0x14400;
	s23 =	rddreg [dreg:$0x6];
	[sflag:s25] =	ssyncadd.s32 $0xFFFF8000  }
0xa7: {  	[hbm4b:s23+s2] =	stream.linear.scatter [tilespmem:s22], [sflag:$0x5], $0x8000, $0x38;
	[tilespmem:$0x18400] =	vst v63  }
0xa8: {  	s9 =	simm.s32 $0x15400;
	s10 =	simm.s32 $0x15C00;
	_ =	swait.ge [sflag:s13], $0x8000  }
0xa9: {  	s11 =	simm.s32 $0x16C00;
	s15 =	simm.s32 $0x17C00;
	[sflag:s13] =	ssyncset.done $0x0  }
0xaa: {  	s21 =	simm.s32 $0x14C00;
	s24 =	rddreg [dreg:$0x7];
	[sflag:s13] =	ssyncadd.s32 $0xFFFF8000  }
0xab: {  	[hbm4b:s24+s2] =	stream.linear.scatter [tilespmem:s29], [sflag:$0x6], $0x8000, $0x38;
	[tilespmem:$0x18400] =	vst v63  }
0xac: {  	s23 =	simm.s32 $0x16400;
	s24 =	simm.s32 $0x17400;
	s29 =	simm.s32 $0x0  }
.LBB2_2:
0xad: {  	_ =	swait.ge [sflag:s26], $0x8000  }
0xae: {  	[sflag:s26] =	ssyncset.done $0x0  }
0xaf: {  	[sflag:s26] =	ssyncadd.s32 $0xFFFF8000  }
0xb0: {  	v3 =	vld [tilespmem:s14+$0xFFFFFFB0];
	_ =	sdelay $0x4  }
0xb1: {  	v4 =	vshll.u32 v3, $0x3  }
0xb2: {  	v3 =	vand.u32 $0x7, v3;
	v4 =	vand.u32 $0xFFFFFFC0, v4  }
0xb3: {  	v3 =	vor.u32 v3, v4  }
0xb4: {  	v4 =	vperm.xlane v3, v0;
	_ =	sdelay $0x1  }
0xb5: {  	v4 =	vadd.s32 v1, v4;
	_ =	sdelay $0x3  }
0xb6: {  	s0 =	simm.s32 $0x400  }
0xb7: {  	[tilespmem:s0], [sflag:$0x1] =	stream.indirect_vreg.gather [hbm4b:s3+s2], $0x80, v4, vm0, $0xb8;
	[tilespmem:$0x18400] =	vst v63  }
0xb8: {  	s16 =	simm.s32 $0xC00;
	v3 =	vperm.xlane v3, v2  }
0xb9: {  	[tilespmem:s16], [sflag:$0x1] =	stream.indirect_vreg.gather [hbm4b:s5+s2], $0x80, v4, vm0, $0xb8;
	[tilespmem:$0x18400] =	vst v63  }
0xba: {  	s22 =	simm.s32 $0x1400;
	v3 =	vadd.s32 v1, v3  }
0xbb: {  	[tilespmem:s22], [sflag:$0x1] =	stream.indirect_vreg.gather [hbm4b:s6+s2], $0x80, v4, vm0, $0xb8;
	[tilespmem:$0x18400] =	vst v63  }
0xbc: {  	s22 =	simm.s32 $0x1C00  }
0xbd: {  	[tilespmem:s22], [sflag:$0x1] =	stream.indirect_vreg.gather [hbm4b:s7+s2], $0x80, v4, vm0, $0xb8;
	[tilespmem:$0x18400] =	vst v63  }
0xbe: {  	s22 =	simm.s32 $0x2400  }
0xbf: {  	[tilespmem:s22], [sflag:$0x1] =	stream.indirect_vreg.gather [hbm4b:s3+s2], $0x80, v3, vm0, $0xb8;
	[tilespmem:$0x18400] =	vst v63  }
0xc0: {  	s22 =	simm.s32 $0x2C00  }
0xc1: {  	[tilespmem:s22], [sflag:$0x1] =	stream.indirect_vreg.gather [hbm4b:s5+s2], $0x80, v3, vm0, $0xb8;
	[tilespmem:$0x18400] =	vst v63  }
0xc2: {  	s22 =	simm.s32 $0x3400  }
0xc3: {  	[tilespmem:s22], [sflag:$0x1] =	stream.indirect_vreg.gather [hbm4b:s6+s2], $0x80, v3, vm0, $0xb8;
	[tilespmem:$0x18400] =	vst v63  }
0xc4: {  	s22 =	simm.s32 $0x3C00  }
0xc5: {  	[tilespmem:s22], [sflag:$0x1] =	stream.indirect_vreg.gather [hbm4b:s7+s2], $0x80, v3, vm0, $0xb8;
	[tilespmem:$0x18400] =	vst v63  }
0xc6: {  	v3 =	vld [tilespmem:s14+$0xFFFFFFC0];
	_ =	sdelay $0x4  }
0xc7: {  	v59 =	vshll.u32 v3, $0x3  }
0xc8: {  	v3 =	vand.u32 $0x7, v3;
	v4 =	vand.u32 $0xFFFFFFC0, v59  }
0xc9: {  	v3 =	vor.u32 v3, v4  }
0xca: {  	v4 =	vperm.xlane v3, v0;
	_ =	sdelay $0x1  }
0xcb: {  	v4 =	vadd.s32 v1, v4;
	_ =	sdelay $0x3  }
0xcc: {  	s22 =	simm.s32 $0x4400  }
0xcd: {  	[tilespmem:s22], [sflag:$0x1] =	stream.indirect_vreg.gather [hbm4b:s3+s2], $0x80, v4, vm0, $0xb8;
	[tilespmem:$0x18400] =	vst v63  }
0xce: {  	v3 =	vperm.xlane v3, v2;
	s22 =	simm.s32 $0x4C00  }
0xcf: {  	[tilespmem:s22], [sflag:$0x1] =	stream.indirect_vreg.gather [hbm4b:s5+s2], $0x80, v4, vm0, $0xb8;
	[tilespmem:$0x18400] =	vst v63  }
0xd0: {  	v3 =	vadd.s32 v1, v3;
	s22 =	simm.s32 $0x5400  }
0xd1: {  	[tilespmem:s22], [sflag:$0x1] =	stream.indirect_vreg.gather [hbm4b:s6+s2], $0x80, v4, vm0, $0xb8;
	[tilespmem:$0x18400] =	vst v63  }
0xd2: {  	s22 =	simm.s32 $0x5C00  }
0xd3: {  	[tilespmem:s22], [sflag:$0x1] =	stream.indirect_vreg.gather [hbm4b:s7+s2], $0x80, v4, vm0, $0xb8;
	[tilespmem:$0x18400] =	vst v63  }
0xd4: {  	s22 =	simm.s32 $0x6400  }
0xd5: {  	[tilespmem:s22], [sflag:$0x1] =	stream.indirect_vreg.gather [hbm4b:s3+s2], $0x80, v3, vm0, $0xb8;
	[tilespmem:$0x18400] =	vst v63  }
0xd6: {  	s22 =	simm.s32 $0x6C00  }
0xd7: {  	[tilespmem:s22], [sflag:$0x1] =	stream.indirect_vreg.gather [hbm4b:s5+s2], $0x80, v3, vm0, $0xb8;
	[tilespmem:$0x18400] =	vst v63  }
0xd8: {  	s22 =	simm.s32 $0x7400  }
0xd9: {  	[tilespmem:s22], [sflag:$0x1] =	stream.indirect_vreg.gather [hbm4b:s6+s2], $0x80, v3, vm0, $0xb8;
	[tilespmem:$0x18400] =	vst v63  }
0xda: {  	s22 =	simm.s32 $0x7C00  }
0xdb: {  	[tilespmem:s22], [sflag:$0x1] =	stream.indirect_vreg.gather [hbm4b:s7+s2], $0x80, v3, vm0, $0xb8;
	[tilespmem:$0x18400] =	vst v63  }
0xdc: {  	_ =	swait.ge [sflag:s8], $0x8000  }
0xdd: {  	[sflag:s8] =	ssyncset.done $0x0  }
0xde: {  	[sflag:s8] =	ssyncadd.s32 $0xFFFF8000  }
0xdf: {  	v3 =	vld [tilespmem:s14+$0xFFFFFFD0];
	_ =	sdelay $0x4  }
0xe0: {  	v60 =	vshll.u32 v3, $0x3  }
0xe1: {  	v3 =	vand.u32 $0x7, v3;
	v4 =	vand.u32 $0xFFFFFFC0, v60  }
0xe2: {  	v3 =	vor.u32 v3, v4  }
0xe3: {  	v4 =	vperm.xlane v3, v0;
	_ =	sdelay $0x1  }
0xe4: {  	v4 =	vadd.s32 v1, v4;
	_ =	sdelay $0x3  }
0xe5: {  	s22 =	simm.s32 $0x8400  }
0xe6: {  	[tilespmem:s22], [sflag:$0x2] =	stream.indirect_vreg.gather [hbm4b:s3+s2], $0x80, v4, vm0, $0xb8;
	[tilespmem:$0x18400] =	vst v63  }
0xe7: {  	s16 =	simm.s32 $0x8C00;
	v3 =	vperm.xlane v3, v2  }
0xe8: {  	[tilespmem:s16], [sflag:$0x2] =	stream.indirect_vreg.gather [hbm4b:s5+s2], $0x80, v4, vm0, $0xb8;
	[tilespmem:$0x18400] =	vst v63  }
0xe9: {  	v3 =	vadd.s32 v1, v3;
	s16 =	simm.s32 $0x9400  }
0xea: {  	[tilespmem:s16], [sflag:$0x2] =	stream.indirect_vreg.gather [hbm4b:s6+s2], $0x80, v4, vm0, $0xb8;
	[tilespmem:$0x18400] =	vst v63  }
0xeb: {  	s16 =	simm.s32 $0x9C00  }
0xec: {  	[tilespmem:s16], [sflag:$0x2] =	stream.indirect_vreg.gather [hbm4b:s7+s2], $0x80, v4, vm0, $0xb8;
	[tilespmem:$0x18400] =	vst v63  }
0xed: {  	s16 =	simm.s32 $0xA400  }
0xee: {  	[tilespmem:s16], [sflag:$0x2] =	stream.indirect_vreg.gather [hbm4b:s3+s2], $0x80, v3, vm0, $0xb8;
	[tilespmem:$0x18400] =	vst v63  }
0xef: {  	s16 =	simm.s32 $0xAC00  }
0xf0: {  	[tilespmem:s16], [sflag:$0x2] =	stream.indirect_vreg.gather [hbm4b:s5+s2], $0x80, v3, vm0, $0xb8;
	[tilespmem:$0x18400] =	vst v63  }
0xf1: {  	s16 =	simm.s32 $0xB400  }
0xf2: {  	[tilespmem:s16], [sflag:$0x2] =	stream.indirect_vreg.gather [hbm4b:s6+s2], $0x80, v3, vm0, $0xb8;
	[tilespmem:$0x18400] =	vst v63  }
0xf3: {  	s16 =	simm.s32 $0xBC00  }
0xf4: {  	[tilespmem:s16], [sflag:$0x2] =	stream.indirect_vreg.gather [hbm4b:s7+s2], $0x80, v3, vm0, $0xb8;
	[tilespmem:$0x18400] =	vst v63  }
0xf5: {  	v3 =	vld [tilespmem:s14+$0xFFFFFFE0];
	_ =	sdelay $0x4  }
0xf6: {  	v61 =	vshll.u32 v3, $0x3  }
0xf7: {  	v3 =	vand.u32 $0x7, v3;
	v4 =	vand.u32 $0xFFFFFFC0, v61  }
0xf8: {  	v3 =	vor.u32 v3, v4  }
0xf9: {  	v4 =	vperm.xlane v3, v0;
	_ =	sdelay $0x1  }
0xfa: {  	v4 =	vadd.s32 v1, v4;
	_ =	sdelay $0x3  }
0xfb: {  	s16 =	simm.s32 $0xC400  }
0xfc: {  	[tilespmem:s16], [sflag:$0x2] =	stream.indirect_vreg.gather [hbm4b:s3+s2], $0x80, v4, vm0, $0xb8;
	[tilespmem:$0x18400] =	vst v63  }
0xfd: {  	v3 =	vperm.xlane v3, v2;
	s16 =	simm.s32 $0xCC00  }
0xfe: {  	[tilespmem:s16], [sflag:$0x2] =	stream.indirect_vreg.gather [hbm4b:s5+s2], $0x80, v4, vm0, $0xb8;
	[tilespmem:$0x18400] =	vst v63  }
0xff: {  	v3 =	vadd.s32 v1, v3;
	s16 =	simm.s32 $0xD400  }
0x100: {  	[tilespmem:s16], [sflag:$0x2] =	stream.indirect_vreg.gather [hbm4b:s6+s2], $0x80, v4, vm0, $0xb8;
	[tilespmem:$0x18400] =	vst v63  }
0x101: {  	s16 =	simm.s32 $0xDC00  }
0x102: {  	[tilespmem:s16], [sflag:$0x2] =	stream.indirect_vreg.gather [hbm4b:s7+s2], $0x80, v4, vm0, $0xb8;
	[tilespmem:$0x18400] =	vst v63  }
0x103: {  	s16 =	simm.s32 $0xE400  }
0x104: {  	[tilespmem:s16], [sflag:$0x2] =	stream.indirect_vreg.gather [hbm4b:s3+s2], $0x80, v3, vm0, $0xb8;
	[tilespmem:$0x18400] =	vst v63  }
0x105: {  	s16 =	simm.s32 $0xEC00  }
0x106: {  	[tilespmem:s16], [sflag:$0x2] =	stream.indirect_vreg.gather [hbm4b:s5+s2], $0x80, v3, vm0, $0xb8;
	[tilespmem:$0x18400] =	vst v63  }
0x107: {  	s16 =	simm.s32 $0xF400  }
0x108: {  	[tilespmem:s16], [sflag:$0x2] =	stream.indirect_vreg.gather [hbm4b:s6+s2], $0x80, v3, vm0, $0xb8;
	[tilespmem:$0x18400] =	vst v63  }
0x109: {  	s16 =	simm.s32 $0xFC00  }
0x10a: {  	[tilespmem:s16], [sflag:$0x2] =	stream.indirect_vreg.gather [hbm4b:s7+s2], $0x80, v3, vm0, $0xb8;
	[tilespmem:$0x18400] =	vst v63  }
0x10b: {  	_ =	swait.ge [sflag:s28], $0x8000  }
0x10c: {  	[sflag:s28] =	ssyncset.done $0x0  }
0x10d: {  	[sflag:s28] =	ssyncadd.s32 $0xFFFF8000  }
0x10e: {  	v3 =	vld [tilespmem:s14+$0xFFFFFFF0];
	_ =	sdelay $0x4  }
0x10f: {  	v62 =	vshll.u32 v3, $0x3  }
0x110: {  	v3 =	vand.u32 $0x7, v3;
	v4 =	vand.u32 $0xFFFFFFC0, v62  }
0x111: {  	v3 =	vor.u32 v3, v4  }
0x112: {  	v4 =	vperm.xlane v3, v0;
	_ =	sdelay $0x1  }
0x113: {  	v4 =	vadd.s32 v1, v4;
	_ =	sdelay $0x4  }
0x114: {  	[tilespmem:s18], [sflag:$0x3] =	stream.indirect_vreg.gather [hbm4b:s3+s2], $0x80, v4, vm0, $0xb8;
	[tilespmem:$0x18400] =	vst v63  }
0x115: {  	v3 =	vperm.xlane v3, v2  }
0x116: {  	[tilespmem:s30], [sflag:$0x3] =	stream.indirect_vreg.gather [hbm4b:s5+s2], $0x80, v4, vm0, $0xb8;
	[tilespmem:$0x18400] =	vst v63  }
0x117: {  	v3 =	vadd.s32 v1, v3  }
0x118: {  	[tilespmem:s17], [sflag:$0x3] =	stream.indirect_vreg.gather [hbm4b:s6+s2], $0x80, v4, vm0, $0xb8;
	[tilespmem:$0x18400] =	vst v63  }
0x119: {  	_ = 	snop  }
0x11a: {  	[tilespmem:s31], [sflag:$0x3] =	stream.indirect_vreg.gather [hbm4b:s7+s2], $0x80, v4, vm0, $0xb8;
	[tilespmem:$0x18400] =	vst v63  }
0x11b: {  	s16 =	simm.s32 $0x12400  }
0x11c: {  	[tilespmem:s16], [sflag:$0x3] =	stream.indirect_vreg.gather [hbm4b:s3+s2], $0x80, v3, vm0, $0xb8;
	[tilespmem:$0x18400] =	vst v63  }
0x11d: {  	_ = 	snop  }
0x11e: {  	[tilespmem:s19], [sflag:$0x3] =	stream.indirect_vreg.gather [hbm4b:s5+s2], $0x80, v3, vm0, $0xb8;
	[tilespmem:$0x18400] =	vst v63  }
0x11f: {  	_ = 	snop  }
0x120: {  	[tilespmem:s1], [sflag:$0x3] =	stream.indirect_vreg.gather [hbm4b:s6+s2], $0x80, v3, vm0, $0xb8;
	[tilespmem:$0x18400] =	vst v63  }
0x121: {  	_ = 	snop  }
0x122: {  	[tilespmem:s20], [sflag:$0x3] =	stream.indirect_vreg.gather [hbm4b:s7+s2], $0x80, v3, vm0, $0xb8;
	[tilespmem:$0x18400] =	vst v63  }
0x123: {  	v3 =	vld [tilespmem:s14+$0x0];
	_ =	sdelay $0x4  }
0x124: {  	v63 =	vshll.u32 v3, $0x3  }
0x125: {  	v3 =	vand.u32 $0x7, v3;
	v4 =	vand.u32 $0xFFFFFFC0, v63  }
0x126: {  	v3 =	vor.u32 v3, v4  }
0x127: {  	v4 =	vperm.xlane v3, v0;
	_ =	sdelay $0x1  }
0x128: {  	v4 =	vadd.s32 v1, v4;
	_ =	sdelay $0x4  }
0x129: {  	[tilespmem:s4], [sflag:$0x3] =	stream.indirect_vreg.gather [hbm4b:s3+s2], $0x80, v4, vm0, $0xb8;
	[tilespmem:$0x18400] =	vst v63  }
0x12a: {  	v3 =	vperm.xlane v3, v2  }
0x12b: {  	[tilespmem:s21], [sflag:$0x3] =	stream.indirect_vreg.gather [hbm4b:s5+s2], $0x80, v4, vm0, $0xb8;
	[tilespmem:$0x18400] =	vst v63  }
0x12c: {  	v3 =	vadd.s32 v1, v3  }
0x12d: {  	[tilespmem:s9], [sflag:$0x3] =	stream.indirect_vreg.gather [hbm4b:s6+s2], $0x80, v4, vm0, $0xb8;
	[tilespmem:$0x18400] =	vst v63  }
0x12e: {  	_ = 	snop  }
0x12f: {  	[tilespmem:s10], [sflag:$0x3] =	stream.indirect_vreg.gather [hbm4b:s7+s2], $0x80, v4, vm0, $0xb8;
	[tilespmem:$0x18400] =	vst v63  }
0x130: {  	_ = 	snop  }
0x131: {  	[tilespmem:s23], [sflag:$0x3] =	stream.indirect_vreg.gather [hbm4b:s3+s2], $0x80, v3, vm0, $0xb8;
	[tilespmem:$0x18400] =	vst v63  }
0x132: {  	_ = 	snop  }
0x133: {  	[tilespmem:s11], [sflag:$0x3] =	stream.indirect_vreg.gather [hbm4b:s5+s2], $0x80, v3, vm0, $0xb8;
	[tilespmem:$0x18400] =	vst v63  }
0x134: {  	_ = 	snop  }
0x135: {  	[tilespmem:s24], [sflag:$0x3] =	stream.indirect_vreg.gather [hbm4b:s6+s2], $0x80, v3, vm0, $0xb8;
	[tilespmem:$0x18400] =	vst v63  }
0x136: {  	_ = 	snop  }
0x137: {  	[tilespmem:s15], [sflag:$0x3] =	stream.indirect_vreg.gather [hbm4b:s7+s2], $0x80, v3, vm0, $0xb8;
	[tilespmem:$0x18400] =	vst v63  }
0x138: {  	_ =	swait.ge [sflag:s12], $0x8000  }
0x139: {  	s16 =	rddreg [dreg:$0x3]  }
0x13a: {  	[sflag:s12] =	ssyncset.done $0x0;
	s16 =	sadd.s32 s29, s16  }
0x13b: {  	[sflag:s12] =	ssyncadd.s32 $0xFFFF8000;
	s30 =	sadd.s32 $0x3000, s16  }
0x13c: {  	[hbm4b:s30+s2] =	stream.linear.scatter [tilespmem:s0], [sflag:$0x4], $0x8000, $0x38;
	[tilespmem:$0x18400] =	vst v63  }
0x13d: {  	_ =	swait.ge [sflag:s25], $0x8000  }
0x13e: {  	[sflag:s25] =	ssyncset.done $0x0  }
0x13f: {  	p0 =	sne.s32 s29, $0x18000;
	s30 =	sadd.s32 $0x4000, s16;
	[sflag:s25] =	ssyncadd.s32 $0xFFFF8000  }
0x140: {  	[hbm4b:s30+s2] =	stream.linear.scatter [tilespmem:s22], [sflag:$0x5], $0x8000, $0x38;
	[tilespmem:$0x18400] =	vst v63  }
.Ltmp0:
0x141: {  	_ = 	snop;
	(pc) =	sbr.rel @p0 .LBB2_2-.Ltmp0, $4  }
0x142: {  	_ =	swait.ge [sflag:s13], $0x8000  }
0x143: {  	s14 =	sadd.s32 $0x60, s14;
	s29 =	sadd.s32 $0x3000, s29;
	[sflag:s13] =	ssyncset.done $0x0  }
0x144: {  	s16 =	sadd.s32 $0x5000, s16;
	s30 =	simm.s32 $0x10C00;
	[sflag:s13] =	ssyncadd.s32 $0xFFFF8000  }
0x145: {  	[hbm4b:s16+s2] =	stream.linear.scatter [tilespmem:s18], [sflag:$0x6], $0x8000, $0x38;
	[tilespmem:$0x18400] =	vst v63  }
0x146: {  	_ =	swait.ge [sflag:s26], $0x8000  }
0x147: {  	[sflag:s26] =	ssyncset.done $0x0  }
0x148: {  	[sflag:s26] =	ssyncadd.s32 $0xFFFF8000  }
0x149: {  	v3 =	vld [tilespmem:$0x3C0];
	_ =	sdelay $0x4  }
0x14a: {  	v4 =	vshll.u32 v3, $0x3  }
0x14b: {  	v3 =	vand.u32 $0x7, v3;
	v4 =	vand.u32 $0xFFFFFFC0, v4  }
0x14c: {  	v3 =	vor.u32 v3, v4  }
0x14d: {  	v4 =	vperm.xlane v3, v0;
	_ =	sdelay $0x1  }
0x14e: {  	v4 =	vadd.s32 v1, v4;
	_ =	sdelay $0x3  }
0x14f: {  	s0 =	simm.s32 $0x400  }
0x150: {  	[tilespmem:s0], [sflag:$0x1] =	stream.indirect_vreg.gather [hbm4b:s3+s2], $0x80, v4, vm0, $0xb8;
	[tilespmem:$0x18400] =	vst v63  }
0x151: {  	s14 =	simm.s32 $0xC00;
	v3 =	vperm.xlane v3, v2  }
0x152: {  	[tilespmem:s14], [sflag:$0x1] =	stream.indirect_vreg.gather [hbm4b:s5+s2], $0x80, v4, vm0, $0xb8;
	[tilespmem:$0x18400] =	vst v63  }
0x153: {  	s22 =	simm.s32 $0x1400;
	v3 =	vadd.s32 v1, v3  }
0x154: {  	[tilespmem:s22], [sflag:$0x1] =	stream.indirect_vreg.gather [hbm4b:s6+s2], $0x80, v4, vm0, $0xb8;
	[tilespmem:$0x18400] =	vst v63  }
0x155: {  	s23 =	simm.s32 $0x1C00  }
0x156: {  	[tilespmem:s23], [sflag:$0x1] =	stream.indirect_vreg.gather [hbm4b:s7+s2], $0x80, v4, vm0, $0xb8;
	[tilespmem:$0x18400] =	vst v63  }
0x157: {  	s24 =	simm.s32 $0x2400  }
0x158: {  	[tilespmem:s24], [sflag:$0x1] =	stream.indirect_vreg.gather [hbm4b:s3+s2], $0x80, v3, vm0, $0xb8;
	[tilespmem:$0x18400] =	vst v63  }
0x159: {  	s1 =	simm.s32 $0x2C00  }
0x15a: {  	[tilespmem:s1], [sflag:$0x1] =	stream.indirect_vreg.gather [hbm4b:s5+s2], $0x80, v3, vm0, $0xb8;
	[tilespmem:$0x18400] =	vst v63  }
0x15b: {  	s4 =	simm.s32 $0x3400  }
0x15c: {  	[tilespmem:s4], [sflag:$0x1] =	stream.indirect_vreg.gather [hbm4b:s6+s2], $0x80, v3, vm0, $0xb8;
	[tilespmem:$0x18400] =	vst v63  }
0x15d: {  	s9 =	simm.s32 $0x3C00  }
0x15e: {  	[tilespmem:s9], [sflag:$0x1] =	stream.indirect_vreg.gather [hbm4b:s7+s2], $0x80, v3, vm0, $0xb8;
	[tilespmem:$0x18400] =	vst v63  }
0x15f: {  	v3 =	vld [tilespmem:$0x3D0];
	_ =	sdelay $0x4  }
0x160: {  	v61 =	vshll.u32 v3, $0x3  }
0x161: {  	v3 =	vand.u32 $0x7, v3;
	v4 =	vand.u32 $0xFFFFFFC0, v61  }
0x162: {  	v3 =	vor.u32 v3, v4  }
0x163: {  	v4 =	vperm.xlane v3, v0;
	_ =	sdelay $0x1  }
0x164: {  	v4 =	vadd.s32 v1, v4;
	_ =	sdelay $0x3  }
0x165: {  	s10 =	simm.s32 $0x4400  }
0x166: {  	[tilespmem:s10], [sflag:$0x1] =	stream.indirect_vreg.gather [hbm4b:s3+s2], $0x80, v4, vm0, $0xb8;
	[tilespmem:$0x18400] =	vst v63  }
0x167: {  	s11 =	simm.s32 $0x4C00;
	v3 =	vperm.xlane v3, v2  }
0x168: {  	[tilespmem:s11], [sflag:$0x1] =	stream.indirect_vreg.gather [hbm4b:s5+s2], $0x80, v4, vm0, $0xb8;
	[tilespmem:$0x18400] =	vst v63  }
0x169: {  	s15 =	simm.s32 $0x5400;
	v3 =	vadd.s32 v1, v3  }
0x16a: {  	[tilespmem:s15], [sflag:$0x1] =	stream.indirect_vreg.gather [hbm4b:s6+s2], $0x80, v4, vm0, $0xb8;
	[tilespmem:$0x18400] =	vst v63  }
0x16b: {  	s16 =	simm.s32 $0x5C00  }
0x16c: {  	[tilespmem:s16], [sflag:$0x1] =	stream.indirect_vreg.gather [hbm4b:s7+s2], $0x80, v4, vm0, $0xb8;
	[tilespmem:$0x18400] =	vst v63  }
0x16d: {  	s17 =	simm.s32 $0x6400  }
0x16e: {  	[tilespmem:s17], [sflag:$0x1] =	stream.indirect_vreg.gather [hbm4b:s3+s2], $0x80, v3, vm0, $0xb8;
	[tilespmem:$0x18400] =	vst v63  }
0x16f: {  	s18 =	simm.s32 $0x6C00  }
0x170: {  	[tilespmem:s18], [sflag:$0x1] =	stream.indirect_vreg.gather [hbm4b:s5+s2], $0x80, v3, vm0, $0xb8;
	[tilespmem:$0x18400] =	vst v63  }
0x171: {  	s19 =	simm.s32 $0x7400  }
0x172: {  	[tilespmem:s19], [sflag:$0x1] =	stream.indirect_vreg.gather [hbm4b:s6+s2], $0x80, v3, vm0, $0xb8;
	[tilespmem:$0x18400] =	vst v63  }
0x173: {  	s20 =	simm.s32 $0x7C00  }
0x174: {  	[tilespmem:s20], [sflag:$0x1] =	stream.indirect_vreg.gather [hbm4b:s7+s2], $0x80, v3, vm0, $0xb8;
	[tilespmem:$0x18400] =	vst v63  }
0x175: {  	_ =	swait.ge [sflag:s8], $0x8000  }
0x176: {  	[sflag:s8] =	ssyncset.done $0x0  }
0x177: {  	[sflag:s8] =	ssyncadd.s32 $0xFFFF8000  }
0x178: {  	v3 =	vld [tilespmem:$0x3E0];
	_ =	sdelay $0x4  }
0x179: {  	v62 =	vshll.u32 v3, $0x3  }
0x17a: {  	v3 =	vand.u32 $0x7, v3;
	v4 =	vand.u32 $0xFFFFFFC0, v62  }
0x17b: {  	v3 =	vor.u32 v3, v4  }
0x17c: {  	v4 =	vperm.xlane v3, v0;
	_ =	sdelay $0x1  }
0x17d: {  	v4 =	vadd.s32 v1, v4;
	_ =	sdelay $0x3  }
0x17e: {  	s4 =	simm.s32 $0x8400  }
0x17f: {  	[tilespmem:s4], [sflag:$0x2] =	stream.indirect_vreg.gather [hbm4b:s3+s2], $0x80, v4, vm0, $0xb8;
	[tilespmem:$0x18400] =	vst v63  }
0x180: {  	s21 =	simm.s32 $0x8C00;
	v3 =	vperm.xlane v3, v2  }
0x181: {  	[tilespmem:s21], [sflag:$0x2] =	stream.indirect_vreg.gather [hbm4b:s5+s2], $0x80, v4, vm0, $0xb8;
	[tilespmem:$0x18400] =	vst v63  }
0x182: {  	s22 =	simm.s32 $0x9400;
	v3 =	vadd.s32 v1, v3  }
0x183: {  	[tilespmem:s22], [sflag:$0x2] =	stream.indirect_vreg.gather [hbm4b:s6+s2], $0x80, v4, vm0, $0xb8;
	[tilespmem:$0x18400] =	vst v63  }
0x184: {  	s23 =	simm.s32 $0x9C00  }
0x185: {  	[tilespmem:s23], [sflag:$0x2] =	stream.indirect_vreg.gather [hbm4b:s7+s2], $0x80, v4, vm0, $0xb8;
	[tilespmem:$0x18400] =	vst v63  }
0x186: {  	s24 =	simm.s32 $0xA400  }
0x187: {  	[tilespmem:s24], [sflag:$0x2] =	stream.indirect_vreg.gather [hbm4b:s3+s2], $0x80, v3, vm0, $0xb8;
	[tilespmem:$0x18400] =	vst v63  }
0x188: {  	s1 =	simm.s32 $0xAC00  }
0x189: {  	[tilespmem:s1], [sflag:$0x2] =	stream.indirect_vreg.gather [hbm4b:s5+s2], $0x80, v3, vm0, $0xb8;
	[tilespmem:$0x18400] =	vst v63  }
0x18a: {  	s9 =	simm.s32 $0xB400  }
0x18b: {  	[tilespmem:s9], [sflag:$0x2] =	stream.indirect_vreg.gather [hbm4b:s6+s2], $0x80, v3, vm0, $0xb8;
	[tilespmem:$0x18400] =	vst v63  }
0x18c: {  	s10 =	simm.s32 $0xBC00  }
0x18d: {  	[tilespmem:s10], [sflag:$0x2] =	stream.indirect_vreg.gather [hbm4b:s7+s2], $0x80, v3, vm0, $0xb8;
	[tilespmem:$0x18400] =	vst v63  }
0x18e: {  	v3 =	vld [tilespmem:$0x3F0];
	_ =	sdelay $0x4  }
0x18f: {  	v63 =	vshll.u32 v3, $0x3  }
0x190: {  	v3 =	vand.u32 $0x7, v3;
	v4 =	vand.u32 $0xFFFFFFC0, v63  }
0x191: {  	v3 =	vor.u32 v3, v4  }
0x192: {  	v4 =	vperm.xlane v3, v0;
	_ =	sdelay $0x1  }
0x193: {  	v4 =	vadd.s32 v1, v4;
	_ =	sdelay $0x3  }
0x194: {  	s11 =	simm.s32 $0xC400  }
0x195: {  	[tilespmem:s11], [sflag:$0x2] =	stream.indirect_vreg.gather [hbm4b:s3+s2], $0x80, v4, vm0, $0xb8;
	[tilespmem:$0x18400] =	vst v63  }
0x196: {  	s15 =	simm.s32 $0xCC00;
	v3 =	vperm.xlane v3, v2  }
0x197: {  	[tilespmem:s15], [sflag:$0x2] =	stream.indirect_vreg.gather [hbm4b:s5+s2], $0x80, v4, vm0, $0xb8;
	[tilespmem:$0x18400] =	vst v63  }
0x198: {  	s16 =	simm.s32 $0xD400;
	v3 =	vadd.s32 v1, v3  }
0x199: {  	[tilespmem:s16], [sflag:$0x2] =	stream.indirect_vreg.gather [hbm4b:s6+s2], $0x80, v4, vm0, $0xb8;
	[tilespmem:$0x18400] =	vst v63  }
0x19a: {  	s17 =	simm.s32 $0xDC00  }
0x19b: {  	[tilespmem:s17], [sflag:$0x2] =	stream.indirect_vreg.gather [hbm4b:s7+s2], $0x80, v4, vm0, $0xb8;
	[tilespmem:$0x18400] =	vst v63  }
0x19c: {  	s18 =	simm.s32 $0xE400  }
0x19d: {  	[tilespmem:s18], [sflag:$0x2] =	stream.indirect_vreg.gather [hbm4b:s3+s2], $0x80, v3, vm0, $0xb8;
	[tilespmem:$0x18400] =	vst v63  }
0x19e: {  	s19 =	simm.s32 $0xEC00  }
0x19f: {  	[tilespmem:s19], [sflag:$0x2] =	stream.indirect_vreg.gather [hbm4b:s5+s2], $0x80, v3, vm0, $0xb8;
	[tilespmem:$0x18400] =	vst v63  }
0x1a0: {  	s1 =	simm.s32 $0xF400  }
0x1a1: {  	[tilespmem:s1], [sflag:$0x2] =	stream.indirect_vreg.gather [hbm4b:s6+s2], $0x80, v3, vm0, $0xb8;
	[tilespmem:$0x18400] =	vst v63  }
0x1a2: {  	s20 =	simm.s32 $0xFC00  }
0x1a3: {  	[tilespmem:s20], [sflag:$0x2] =	stream.indirect_vreg.gather [hbm4b:s7+s2], $0x80, v3, vm0, $0xb8;
	[tilespmem:$0x18400] =	vst v63  }
0x1a4: {  	_ =	swait.ge [sflag:s12], $0x8000  }
0x1a5: {  	[sflag:s12] =	ssyncset.done $0x0  }
0x1a6: {  	s21 =	rddreg [dreg:$0x8];
	[sflag:s12] =	ssyncadd.s32 $0xFFFF8000  }
0x1a7: {  	[hbm4b:s21+s2] =	stream.linear.scatter [tilespmem:s0], [sflag:$0x4], $0x8000, $0x38;
	[tilespmem:$0x18400] =	vst v63  }
0x1a8: {  	_ =	swait.ge [sflag:s25], $0x8000  }
0x1a9: {  	[sflag:s25] =	ssyncset.done $0x0  }
0x1aa: {  	s22 =	rddreg [dreg:$0x9];
	[sflag:s25] =	ssyncadd.s32 $0xFFFF8000  }
0x1ab: {  	[hbm4b:s22+s2] =	stream.linear.scatter [tilespmem:s4], [sflag:$0x5], $0x8000, $0x38;
	[tilespmem:$0x18400] =	vst v63  }
0x1ac: {  	_ =	swait.ge [sflag:s26], $0x8000  }
0x1ad: {  	[sflag:s26] =	ssyncset.done $0x0  }
0x1ae: {  	[sflag:s26] =	ssyncadd.s32 $0xFFFF8000  }
0x1af: {  	_ =	swait.ge [sflag:s8], $0x8000  }
0x1b0: {  	[sflag:s8] =	ssyncset.done $0x0  }
0x1b1: {  	[sflag:s8] =	ssyncadd.s32 $0xFFFF8000  }
0x1b2: {  	_ =	swait.ge [sflag:s28], $0x8000  }
0x1b3: {  	s23 =	rddreg [dreg:$0xb]  }
0x1b4: {  	s29 =	simm.s32 $0x10400;
	s24 =	rddreg [dreg:$0xa];
	s0 =	sadd.s32 $0x1, s23  }
0x1b5: {  	s9 =	simm.s32 $0x15400;
	s10 =	simm.s32 $0x15C00;
	p0 =	sne.s32 s0, s24  }
.Ltmp1:
0x1b6: {  	s11 =	simm.s32 $0x16C00;
	s15 =	simm.s32 $0x17C00;
	(pc) =	sbr.rel @p0 .LBB2_1-.Ltmp1, $4  }
0x1b7: {  	s16 =	simm.s32 $0x11400;
	s17 =	simm.s32 $0x11C00;
	s18 =	simm.s32 $0x12400  }
0x1b8: {  	s19 =	simm.s32 $0x12C00;
	s1 =	simm.s32 $0x13400;
	s20 =	simm.s32 $0x13C00  }
0x1b9: {  	s21 =	simm.s32 $0x14C00;
	s4 =	simm.s32 $0x14400;
	[sflag:s28] =	ssyncset.done $0x0  }
0x1ba: {  	[sflag:s28] =	ssyncadd.s32 $0xFFFF8000;
	s23 =	simm.s32 $0x16400;
	s24 =	simm.s32 $0x17400  }
0x1bb: {  	_ =	sfence.sel $0x180000  }
0x1bc: {  	[bflag:$0x0] =	sbarrier.arrive $0xFFFF  }
0x1bd: {  	_ =	strace $0x90000047  }
0x1be: {  	s0 =	stileid.u32;
	[bflag:$0x2] =	sbarrier.arrive $0xFFFF  }
0x1bf: {  	p0 =	sne.s32 s0, $0x0;
	s0 =	rddreg [dreg:$0x2]  }
0x1c0: {  	s0 =	sadd.s32 @!p0 $0x100000, s0  }
0x1c1: {  	[sflag:s0] =	ssyncadd.tile.s32 @!p0 $0x1;
	_ =	shalt  }
.Lfunc_end2:
_tile_overlayer_lowered:
.L_overlay_start_2:
0x1c2: {  	(tag) =	ssettag $0x2  }
0x1c3: {  	s0 =	rddreg [dreg:$0x0];
	s2 =	stileid.u32  }
0x1c4: {  	s1 =	rddreg [dreg:$0x1];
	p0 =	sne.s32 s2, $0x0  }
0x1c5: {  	s3 =	rddreg [dreg:$0x2];
	[bflag:$0x3] =	sbarrier.arrive $0xFFFF;
	s2 =	simm.s32 @!p0 $0x1C07  }
0x1c6: {  	[timem:s3], [sflag:s2] =	dma.local @!p0 [hbm:s0], s1  }
0x1c7: {  	s0 =	simm.s32 @!p0 $0x7  }
0x1c8: {  	_ =	swait.ge @!p0 [sflag:s0], s1  }
0x1c9: {  	s1 =	ssub.s32 @!p0 $0x0, s1;
	[sflag:s0] =	ssyncset.done @!p0 $0x0  }
0x1ca: {  	[sflag:s0] =	ssyncadd.s32 @!p0 s1  }
0x1cb: {  	[bflag:$0x3] =	sbarrier.arrive $0xFFFF  }
0x1cc: {  	_ =	shalt  }

</sc_bundles>
